<compile_context>
chip_gen: v7x
topology: tpu7x:2x2x1
jax: 0.10.2.dev20260603
libtpu: 0.0.44.dev20260713+nightly
codegen_flags: <defaults>
</compile_context>

<pallas_src>
import jax
import jax.numpy as jnp
from jax import lax
from jax.experimental import pallas as pl
from jax.experimental.pallas import tpu as pltpu
from jax.experimental.pallas import tpu_sc as plsc

N = 100000
D = 128
S = 1024
CHUNK = 80
MERGE = 2
MCHUNK = CHUNK * MERGE
NCHUNKS = N // MCHUNK
NWORKERS = 32
NJ_LO = NCHUNKS // NWORKERS
NJ_EXTRA = NCHUNKS % NWORKERS
RPS = S // 16


def _phase1_body(feat, ids, zsum_hbm, zcnt_hbm, ones_hbm, psum, pcnt,
                 fbuf0, fbuf1, ibufa0, ibufb0, ibufa1, ibufb1, ones_v,
                 ssum, scnt,
                 semf0, semf1, semia0, semib0, semia1, semib1,
                 sems0, sems1):
    c = lax.axis_index("c")
    s = lax.axis_index("s")
    w = s * 2 + c

    nj = jnp.where(w < NJ_EXTRA, NJ_LO + 1, NJ_LO)

    pltpu.sync_copy(zsum_hbm.at[pl.ds(s * RPS, RPS)], ssum.at[pl.ds(s * RPS, RPS)])
    pltpu.sync_copy(zcnt_hbm.at[pl.ds(s * RPS, RPS)], scnt.at[pl.ds(s * RPS, RPS)])
    pltpu.sync_copy(ones_hbm, ones_v)
    plsc.subcore_barrier()

    def start_load(j, fbuf, ibufa, ibufb, semf, semia, semib):
        r0 = (w + j * NWORKERS) * MCHUNK
        pltpu.make_async_copy(feat.at[pl.ds(r0, MCHUNK)], fbuf, semf).start()
        pltpu.make_async_copy(ids.at[pl.ds(r0, CHUNK)], ibufa, semia).start()
        pltpu.make_async_copy(ids.at[pl.ds(r0 + CHUNK, CHUNK)], ibufb, semib).start()

    def finish_and_fire(j, fbuf, ibufa, ibufb, semf, semia, semib, sems):
        r0 = (w + j * NWORKERS) * MCHUNK
        pltpu.make_async_copy(feat.at[pl.ds(r0, MCHUNK)], fbuf, semf).wait()
        pltpu.make_async_copy(ids.at[pl.ds(r0, CHUNK)], ibufa, semia).wait()
        pltpu.make_async_copy(ids.at[pl.ds(r0 + CHUNK, CHUNK)], ibufb, semib).wait()
        pltpu.async_copy(fbuf.at[pl.ds(0, CHUNK)], ssum.at[ibufa], sems, add=True)
        pltpu.async_copy(ones_v, scnt.at[ibufa], sems, add=True)
        pltpu.async_copy(fbuf.at[pl.ds(CHUNK, CHUNK)], ssum.at[ibufb], sems, add=True)
        pltpu.async_copy(ones_v, scnt.at[ibufb], sems, add=True)

    def drain(fbuf, ibufa, ibufb, sems):
        pltpu.make_async_copy(fbuf.at[pl.ds(0, CHUNK)], ssum.at[ibufa], sems).wait()
        pltpu.make_async_copy(ones_v, scnt.at[ibufa], sems).wait()
        pltpu.make_async_copy(fbuf.at[pl.ds(CHUNK, CHUNK)], ssum.at[ibufb], sems).wait()
        pltpu.make_async_copy(ones_v, scnt.at[ibufb], sems).wait()

    start_load(0, fbuf0, ibufa0, ibufb0, semf0, semia0, semib0)

    def body_j(j, carry):
        @pl.when(j % 2 == 0)
        def _():
            @pl.when(j + 1 < nj)
            def _():
                @pl.when(j > 0)
                def _():
                    drain(fbuf1, ibufa1, ibufb1, sems1)
                start_load(j + 1, fbuf1, ibufa1, ibufb1, semf1, semia1, semib1)
            finish_and_fire(j, fbuf0, ibufa0, ibufb0, semf0, semia0, semib0, sems0)

        @pl.when(j % 2 == 1)
        def _():
            @pl.when(j + 1 < nj)
            def _():
                drain(fbuf0, ibufa0, ibufb0, sems0)
                start_load(j + 1, fbuf0, ibufa0, ibufb0, semf0, semia0, semib0)
            finish_and_fire(j, fbuf1, ibufa1, ibufb1, semf1, semia1, semib1, sems1)

        return carry

    lax.fori_loop(0, nj, body_j, 0)
    drain(fbuf0, ibufa0, ibufb0, sems0)
    drain(fbuf1, ibufa1, ibufb1, sems1)
    plsc.subcore_barrier()

    pltpu.sync_copy(ssum.at[pl.ds(s * RPS, RPS)], psum.at[c, pl.ds(s * RPS, RPS)])
    pltpu.sync_copy(scnt.at[pl.ds(s * RPS, RPS)], pcnt.at[c, pl.ds(s * RPS, RPS)])


_phase1 = pl.kernel(
    _phase1_body,
    out_type=(
        jax.ShapeDtypeStruct((2, S, D), jnp.float32),
        jax.ShapeDtypeStruct((2, S, D), jnp.float32),
    ),
    mesh=plsc.VectorSubcoreMesh(core_axis_name="c", subcore_axis_name="s"),
    scratch_types=[
        pltpu.VMEM((MCHUNK, D), jnp.float32),
        pltpu.VMEM((MCHUNK, D), jnp.float32),
        pltpu.VMEM((CHUNK,), jnp.int32),
        pltpu.VMEM((CHUNK,), jnp.int32),
        pltpu.VMEM((CHUNK,), jnp.int32),
        pltpu.VMEM((CHUNK,), jnp.int32),
        pltpu.VMEM((CHUNK, D), jnp.float32),
        pltpu.VMEM_SHARED((S, D), jnp.float32),
        pltpu.VMEM_SHARED((S, D), jnp.float32),
        pltpu.SemaphoreType.DMA,
        pltpu.SemaphoreType.DMA,
        pltpu.SemaphoreType.DMA,
        pltpu.SemaphoreType.DMA,
        pltpu.SemaphoreType.DMA,
        pltpu.SemaphoreType.DMA,
        pltpu.SemaphoreType.DMA,
        pltpu.SemaphoreType.DMA,
    ],
)


def _combine_body(psum_ref, pcnt_ref, out_ref):
    total = psum_ref[0] + psum_ref[1]
    cnt = pcnt_ref[0, :, 0:1] + pcnt_ref[1, :, 0:1]
    out_ref[...] = total / jnp.maximum(cnt, 1.0)


def kernel(node_feature, graph_indicator):
    ids = graph_indicator.astype(jnp.int32)
    zsum = jnp.zeros((S, D), jnp.float32)
    zcnt = jnp.zeros((S, D), jnp.float32)
    ones = jnp.ones((CHUNK, D), jnp.float32)
    psum, pcnt = _phase1(node_feature, ids, zsum, zcnt, ones)
    return pl.pallas_call(
        _combine_body,
        out_shape=jax.ShapeDtypeStruct((S, D), jnp.float32),
    )(psum, pcnt)

# --- scband reference (transcript-rebuilt; emitter-appended) ---
"""Pipeline reference for scband-segment-pooling-readout-8959301779886 (READ-ONLY COPY).

The authoritative reference and input builder live on the scoring server;
editing this copy changes nothing except your own understanding.
"""

import jax, jax.numpy as jnp
import numpy as np

NUM_SEGMENTS = 1024

def setup_inputs(seed: int = 0) -> dict:
    key = jax.random.key(seed)
    k1, k2 = jax.random.split(key)
    node_feature = jax.random.normal(k1, (100000, 128), dtype=jnp.float32)
    graph_indicator = jnp.sort(jax.random.randint(k2, (100000,), 0, NUM_SEGMENTS, dtype=jnp.int64))
    return {"node_feature": node_feature, "graph_indicator": graph_indicator}

def reference(node_feature, graph_indicator):
    # tf.math.segment_mean equivalent: segment_sum / segment counts
    seg_sum = jax.ops.segment_sum(node_feature, graph_indicator, num_segments=NUM_SEGMENTS)
    counts = jax.ops.segment_sum(jnp.ones((node_feature.shape[0],), dtype=node_feature.dtype), graph_indicator, num_segments=NUM_SEGMENTS)
    counts = jnp.maximum(counts, 1.0)
    return seg_sum / counts[:, None]

if __name__ == "__main__":
    import jax
    _d = setup_inputs()
    print(jax.jit(kernel)(*tuple(_d.values())))

</pallas_src>

<mosaic_0001>
#map = affine_map<(d0, d1) -> (0, 0)>
#map1 = affine_map<(d0, d1) -> (0)>
#map2 = affine_map<(d0, d1) -> (0, 0, 0)>
module attributes {stable_mosaic.version = 14 : i64} {
  func.func @_phase1_body(%arg0: i32, %arg1: i32, %arg2: memref<100000x128xf32, #tpu.memory_space<hbm>>, %arg3: memref<100000xi32, #tpu.memory_space<hbm>>, %arg4: memref<1024x128xf32, #tpu.memory_space<hbm>>, %arg5: memref<1024x128xf32, #tpu.memory_space<hbm>>, %arg6: memref<80x128xf32, #tpu.memory_space<hbm>>, %arg7: memref<2x1024x128xf32, #tpu.memory_space<hbm>>, %arg8: memref<2x1024x128xf32, #tpu.memory_space<hbm>>, %arg9: memref<160x128xf32, #tpu.memory_space<vmem>>, %arg10: memref<160x128xf32, #tpu.memory_space<vmem>>, %arg11: memref<80xi32, #tpu.memory_space<vmem>>, %arg12: memref<80xi32, #tpu.memory_space<vmem>>, %arg13: memref<80xi32, #tpu.memory_space<vmem>>, %arg14: memref<80xi32, #tpu.memory_space<vmem>>, %arg15: memref<80x128xf32, #tpu.memory_space<vmem>>, %arg16: memref<1024x128xf32, #tpu.memory_space<vmem_shared>>, %arg17: memref<1024x128xf32, #tpu.memory_space<vmem_shared>>, %arg18: memref<!tpu.dma_semaphore, #tpu.memory_space<semaphore_mem>>, %arg19: memref<!tpu.dma_semaphore, #tpu.memory_space<semaphore_mem>>, %arg20: memref<!tpu.dma_semaphore, #tpu.memory_space<semaphore_mem>>, %arg21: memref<!tpu.dma_semaphore, #tpu.memory_space<semaphore_mem>>, %arg22: memref<!tpu.dma_semaphore, #tpu.memory_space<semaphore_mem>>, %arg23: memref<!tpu.dma_semaphore, #tpu.memory_space<semaphore_mem>>, %arg24: memref<!tpu.dma_semaphore, #tpu.memory_space<semaphore_mem>>, %arg25: memref<!tpu.dma_semaphore, #tpu.memory_space<semaphore_mem>>) attributes {dimension_semantics = [#tpu.dimension_semantics<core_parallel>, #tpu.dimension_semantics<subcore_parallel>], iteration_bounds = array<i64: 2, 16>, scalar_prefetch = 0 : i64, scratch_operands = 17 : i64, tpu.core_type = #tpu.core_type<sc_vector_subcore>, window_params = [{transform_indices = #map}, {transform_indices = #map1}, {transform_indices = #map}, {transform_indices = #map}, {transform_indices = #map}, {transform_indices = #map2}, {transform_indices = #map2}]} {
    %mul3A = arith.constant 2 : i32
    %mul3A_0 = arith.muli %arg1, %mul3A : i32
    %add3A = arith.addi %mul3A_0, %arg0 : i32
    %lt3A = arith.constant 17 : i32
    %lt3A_1 = arith.cmpi slt, %add3A, %lt3A : i32
    %jit3A = arith.constant 20 : i32
    %jit3A_2 = arith.constant 19 : i32
    %select_n3A = arith.select %lt3A_1, %jit3A, %jit3A_2 : i32
    %mul3A_3 = arith.constant 64 : i32
    %mul3A_4 = arith.muli %arg1, %mul3A_3 : i32
    %mul3A_5 = arith.constant 64 : i32
    %mul3A_6 = arith.muli %arg1, %mul3A_5 : i32
    "tpu.region"() ({
      %run_scoped3A = tpu.sem_alloc : memref<!tpu.dma_semaphore, #tpu.memory_space<semaphore_mem>>
      %dma_start3A_77 = arith.constant 0 : i32
      %dma_start3A_78 = tpu.memref_slice %arg16[%mul3A_6, %dma_start3A_77] : memref<1024x128xf32, #tpu.memory_space<vmem_shared>> -> memref<64x128xf32, #tpu.memory_space<vmem_shared>>
      %dma_start3A_79 = arith.constant 0 : i32
      %dma_start3A_80 = tpu.memref_slice %arg4[%mul3A_4, %dma_start3A_79] : memref<1024x128xf32, #tpu.memory_space<hbm>> -> memref<64x128xf32, #tpu.memory_space<hbm>>
      tpu.enqueue_dma source(%dma_start3A_80 : memref<64x128xf32, #tpu.memory_space<hbm>>) target(%dma_start3A_78 : memref<64x128xf32, #tpu.memory_space<vmem_shared>>) target_semaphore(%run_scoped3A : memref<!tpu.dma_semaphore, #tpu.memory_space<semaphore_mem>>)
      %dma_wait3A_81 = arith.constant 0 : i32
      %dma_wait3A_82 = tpu.memref_slice %arg16[%mul3A_6, %dma_wait3A_81] : memref<1024x128xf32, #tpu.memory_space<vmem_shared>> -> memref<64x128xf32, #tpu.memory_space<vmem_shared>>
      %dma_wait3A_83 = arith.constant 0 : i32
      %dma_wait3A_84 = tpu.memref_slice %arg4[%mul3A_4, %dma_wait3A_83] : memref<1024x128xf32, #tpu.memory_space<hbm>> -> memref<64x128xf32, #tpu.memory_space<hbm>>
      tpu.wait_dma2 semaphore(%run_scoped3A : memref<!tpu.dma_semaphore, #tpu.memory_space<semaphore_mem>>) src(%dma_wait3A_84 : memref<64x128xf32, #tpu.memory_space<hbm>>) dst(%dma_wait3A_82 : memref<64x128xf32, #tpu.memory_space<vmem_shared>>)
      tpu.yield
    }) : () -> ()
    %mul3A_7 = arith.constant 64 : i32
    %mul3A_8 = arith.muli %arg1, %mul3A_7 : i32
    %mul3A_9 = arith.constant 64 : i32
    %mul3A_10 = arith.muli %arg1, %mul3A_9 : i32
    "tpu.region"() ({
      %run_scoped3A = tpu.sem_alloc : memref<!tpu.dma_semaphore, #tpu.memory_space<semaphore_mem>>
      %dma_start3A_77 = arith.constant 0 : i32
      %dma_start3A_78 = tpu.memref_slice %arg17[%mul3A_10, %dma_start3A_77] : memref<1024x128xf32, #tpu.memory_space<vmem_shared>> -> memref<64x128xf32, #tpu.memory_space<vmem_shared>>
      %dma_start3A_79 = arith.constant 0 : i32
      %dma_start3A_80 = tpu.memref_slice %arg5[%mul3A_8, %dma_start3A_79] : memref<1024x128xf32, #tpu.memory_space<hbm>> -> memref<64x128xf32, #tpu.memory_space<hbm>>
      tpu.enqueue_dma source(%dma_start3A_80 : memref<64x128xf32, #tpu.memory_space<hbm>>) target(%dma_start3A_78 : memref<64x128xf32, #tpu.memory_space<vmem_shared>>) target_semaphore(%run_scoped3A : memref<!tpu.dma_semaphore, #tpu.memory_space<semaphore_mem>>)
      %dma_wait3A_81 = arith.constant 0 : i32
      %dma_wait3A_82 = tpu.memref_slice %arg17[%mul3A_10, %dma_wait3A_81] : memref<1024x128xf32, #tpu.memory_space<vmem_shared>> -> memref<64x128xf32, #tpu.memory_space<vmem_shared>>
      %dma_wait3A_83 = arith.constant 0 : i32
      %dma_wait3A_84 = tpu.memref_slice %arg5[%mul3A_8, %dma_wait3A_83] : memref<1024x128xf32, #tpu.memory_space<hbm>> -> memref<64x128xf32, #tpu.memory_space<hbm>>
      tpu.wait_dma2 semaphore(%run_scoped3A : memref<!tpu.dma_semaphore, #tpu.memory_space<semaphore_mem>>) src(%dma_wait3A_84 : memref<64x128xf32, #tpu.memory_space<hbm>>) dst(%dma_wait3A_82 : memref<64x128xf32, #tpu.memory_space<vmem_shared>>)
      tpu.yield
    }) : () -> ()
    "tpu.region"() ({
      %run_scoped3A = tpu.sem_alloc : memref<!tpu.dma_semaphore, #tpu.memory_space<semaphore_mem>>
      tpu.enqueue_dma source(%arg6 : memref<80x128xf32, #tpu.memory_space<hbm>>) target(%arg15 : memref<80x128xf32, #tpu.memory_space<vmem>>) target_semaphore(%run_scoped3A : memref<!tpu.dma_semaphore, #tpu.memory_space<semaphore_mem>>)
      tpu.wait_dma2 semaphore(%run_scoped3A : memref<!tpu.dma_semaphore, #tpu.memory_space<semaphore_mem>>) src(%arg6 : memref<80x128xf32, #tpu.memory_space<hbm>>) dst(%arg15 : memref<80x128xf32, #tpu.memory_space<vmem>>)
      tpu.yield
    }) : () -> ()
    %barrier3A = arith.constant 0 : index
    tpu.barrier barrier_id(%barrier3A)
    %add3A_11 = arith.constant 0 : i32
    %add3A_12 = arith.addi %add3A, %add3A_11 : i32
    %mul3A_13 = arith.constant 160 : i32
    %mul3A_14 = arith.muli %add3A_12, %mul3A_13 : i32
    %dma_start3A = arith.constant 0 : i32
    %dma_start3A_15 = tpu.memref_slice %arg2[%mul3A_14, %dma_start3A] : memref<100000x128xf32, #tpu.memory_space<hbm>> -> memref<160x128xf32, #tpu.memory_space<hbm>>
    %dma_start3A_16 = arith.constant 0 : i32
    %dma_start3A_17 = tpu.memref_slice %arg2[%mul3A_14, %dma_start3A_16] : memref<100000x128xf32, #tpu.memory_space<hbm>> -> memref<160x128xf32, #tpu.memory_space<hbm>>
    tpu.enqueue_dma source(%dma_start3A_17 : memref<160x128xf32, #tpu.memory_space<hbm>>) target(%arg9 : memref<160x128xf32, #tpu.memory_space<vmem>>) target_semaphore(%arg18 : memref<!tpu.dma_semaphore, #tpu.memory_space<semaphore_mem>>)
    %dma_start3A_18 = tpu.memref_slice %arg3[%mul3A_14] : memref<100000xi32, #tpu.memory_space<hbm>> -> memref<80xi32, #tpu.memory_space<hbm>>
    %dma_start3A_19 = tpu.memref_slice %arg3[%mul3A_14] : memref<100000xi32, #tpu.memory_space<hbm>> -> memref<80xi32, #tpu.memory_space<hbm>>
    tpu.enqueue_dma source(%dma_start3A_19 : memref<80xi32, #tpu.memory_space<hbm>>) target(%arg11 : memref<80xi32, #tpu.memory_space<vmem>>) target_semaphore(%arg20 : memref<!tpu.dma_semaphore, #tpu.memory_space<semaphore_mem>>)
    %add3A_20 = arith.constant 80 : i32
    %add3A_21 = arith.addi %mul3A_14, %add3A_20 : i32
    %dma_start3A_22 = tpu.memref_slice %arg3[%add3A_21] : memref<100000xi32, #tpu.memory_space<hbm>> -> memref<80xi32, #tpu.memory_space<hbm>>
    %dma_start3A_23 = tpu.memref_slice %arg3[%add3A_21] : memref<100000xi32, #tpu.memory_space<hbm>> -> memref<80xi32, #tpu.memory_space<hbm>>
    tpu.enqueue_dma source(%dma_start3A_23 : memref<80xi32, #tpu.memory_space<hbm>>) target(%arg12 : memref<80xi32, #tpu.memory_space<vmem>>) target_semaphore(%arg21 : memref<!tpu.dma_semaphore, #tpu.memory_space<semaphore_mem>>)
    %while3A = arith.constant 0 : i32
    %while3A_24 = arith.constant 0 : i32
    %while3A_25 = arith.subi %select_n3A, %while3A_24 : i32
    %while3A_26 = arith.addi %while3A_24, %while3A_25 : i32
    %while3A_27 = arith.constant 1 : i32
    %while3A_28 = arith.divsi %while3A_25, %while3A_27 : i32
    %while3A_29 = arith.muli %while3A_28, %while3A_27 : i32
    %while3A_30 = arith.addi %while3A_24, %while3A_29 : i32
    %while3A_31 = arith.constant 1 : i32
    scf.for %while3A_77 = %while3A_24 to %while3A_30 step %while3A_31  : i32 {
      %jit3A_78 = arith.constant 2 : i32
      %eq3A = arith.constant 0 : i32
      %eq3A_79 = arith.cmpi eq, %jit3A_78, %eq3A : i32
      %jit3A_80 = arith.constant 1 : i32
      %select_n3A_81 = arith.select %eq3A_79, %jit3A_80, %jit3A_78 : i32
      %rem3A = arith.remsi %while3A_77, %select_n3A_81 : i32
      %ne3A = arith.constant 0 : i32
      %ne3A_82 = arith.cmpi ne, %rem3A, %ne3A : i32
      %lt3A_83 = arith.constant 0 : i32
      %lt3A_84 = arith.cmpi slt, %rem3A, %lt3A_83 : i32
      %lt3A_85 = arith.constant 0 : i32
      %lt3A_86 = arith.cmpi slt, %select_n3A_81, %lt3A_85 : i32
      %ne3A_87 = arith.xori %lt3A_84, %lt3A_86 : i1
      %and3A = arith.andi %ne3A_87, %ne3A_82 : i1
      %add3A_88 = arith.addi %rem3A, %select_n3A_81 : i32
      %select_n3A_89 = arith.select %and3A, %add3A_88, %rem3A : i32
      %eq3A_90 = arith.constant 0 : i32
      %eq3A_91 = arith.cmpi eq, %select_n3A_89, %eq3A_90 : i32
      %convert_element_type3A = arith.extui %eq3A_91 : i1 to i32
      %cond3A = arith.constant 0 : i32
      %cond3A_92 = arith.cmpi ne, %convert_element_type3A, %cond3A : i32
      scf.if %cond3A_92 {
        %add3A_114 = arith.constant 1 : i32
        %add3A_115 = arith.addi %while3A_77, %add3A_114 : i32
        %lt3A_116 = arith.cmpi slt, %add3A_115, %select_n3A : i32
        %convert_element_type3A_117 = arith.extui %lt3A_116 : i1 to i32
        %cond3A_118 = arith.constant 0 : i32
        %cond3A_119 = arith.cmpi ne, %convert_element_type3A_117, %cond3A_118 : i32
        scf.if %cond3A_119 {
          %gt3A = arith.constant 0 : i32
          %gt3A_153 = arith.cmpi sgt, %while3A_77, %gt3A : i32
          %convert_element_type3A_154 = arith.extui %gt3A_153 : i1 to i32
          %cond3A_155 = arith.constant 0 : i32
          %cond3A_156 = arith.cmpi ne, %convert_element_type3A_154, %cond3A_155 : i32
          scf.if %cond3A_156 {
            %dma_wait3A_174 = arith.constant 0 : i32
            %dma_wait3A_175 = arith.constant 0 : i32
            %dma_wait3A_176 = tpu.memref_slice %arg10[%dma_wait3A_174, %dma_wait3A_175] : memref<160x128xf32, #tpu.memory_space<vmem>> -> memref<80x128xf32, #tpu.memory_space<vmem>>
            %dma_wait3A_177 = arith.constant 0 : i32
            %dma_wait3A_178 = arith.constant 0 : i32
            %dma_wait3A_179 = tpu.memref_slice %arg16[%dma_wait3A_177, %dma_wait3A_178] : memref<1024x128xf32, #tpu.memory_space<vmem_shared>> -> memref<1024x128xf32, #tpu.memory_space<vmem_shared>>
            tpu.wait_indirect_dma semaphore(%arg25 : memref<!tpu.dma_semaphore, #tpu.memory_space<semaphore_mem>>) src(%dma_wait3A_176 : memref<80x128xf32, #tpu.memory_space<vmem>>) dst(%dma_wait3A_179 : memref<1024x128xf32, #tpu.memory_space<vmem_shared>>)
            %dma_wait3A_180 = arith.constant 0 : i32
            %dma_wait3A_181 = arith.constant 0 : i32
            %dma_wait3A_182 = tpu.memref_slice %arg17[%dma_wait3A_180, %dma_wait3A_181] : memref<1024x128xf32, #tpu.memory_space<vmem_shared>> -> memref<1024x128xf32, #tpu.memory_space<vmem_shared>>
            tpu.wait_indirect_dma semaphore(%arg25 : memref<!tpu.dma_semaphore, #tpu.memory_space<semaphore_mem>>) src(%arg15 : memref<80x128xf32, #tpu.memory_space<vmem>>) dst(%dma_wait3A_182 : memref<1024x128xf32, #tpu.memory_space<vmem_shared>>)
            %dma_wait3A_183 = arith.constant 80 : i32
            %dma_wait3A_184 = arith.constant 0 : i32
            %dma_wait3A_185 = tpu.memref_slice %arg10[%dma_wait3A_183, %dma_wait3A_184] : memref<160x128xf32, #tpu.memory_space<vmem>> -> memref<80x128xf32, #tpu.memory_space<vmem>>
            %dma_wait3A_186 = arith.constant 0 : i32
            %dma_wait3A_187 = arith.constant 0 : i32
            %dma_wait3A_188 = tpu.memref_slice %arg16[%dma_wait3A_186, %dma_wait3A_187] : memref<1024x128xf32, #tpu.memory_space<vmem_shared>> -> memref<1024x128xf32, #tpu.memory_space<vmem_shared>>
            tpu.wait_indirect_dma semaphore(%arg25 : memref<!tpu.dma_semaphore, #tpu.memory_space<semaphore_mem>>) src(%dma_wait3A_185 : memref<80x128xf32, #tpu.memory_space<vmem>>) dst(%dma_wait3A_188 : memref<1024x128xf32, #tpu.memory_space<vmem_shared>>)
            %dma_wait3A_189 = arith.constant 0 : i32
            %dma_wait3A_190 = arith.constant 0 : i32
            %dma_wait3A_191 = tpu.memref_slice %arg17[%dma_wait3A_189, %dma_wait3A_190] : memref<1024x128xf32, #tpu.memory_space<vmem_shared>> -> memref<1024x128xf32, #tpu.memory_space<vmem_shared>>
            tpu.wait_indirect_dma semaphore(%arg25 : memref<!tpu.dma_semaphore, #tpu.memory_space<semaphore_mem>>) src(%arg15 : memref<80x128xf32, #tpu.memory_space<vmem>>) dst(%dma_wait3A_191 : memref<1024x128xf32, #tpu.memory_space<vmem_shared>>)
          } else {
          }
          %add3A_157 = arith.constant 1 : i32
          %add3A_158 = arith.addi %while3A_77, %add3A_157 : i32
          %mul3A_159 = arith.constant 32 : i32
          %mul3A_160 = arith.muli %add3A_158, %mul3A_159 : i32
          %add3A_161 = arith.addi %add3A, %mul3A_160 : i32
          %mul3A_162 = arith.constant 160 : i32
          %mul3A_163 = arith.muli %add3A_161, %mul3A_162 : i32
          %dma_start3A_164 = arith.constant 0 : i32
          %dma_start3A_165 = tpu.memref_slice %arg2[%mul3A_163, %dma_start3A_164] : memref<100000x128xf32, #tpu.memory_space<hbm>> -> memref<160x128xf32, #tpu.memory_space<hbm>>
          %dma_start3A_166 = arith.constant 0 : i32
          %dma_start3A_167 = tpu.memref_slice %arg2[%mul3A_163, %dma_start3A_166] : memref<100000x128xf32, #tpu.memory_space<hbm>> -> memref<160x128xf32, #tpu.memory_space<hbm>>
          tpu.enqueue_dma source(%dma_start3A_167 : memref<160x128xf32, #tpu.memory_space<hbm>>) target(%arg10 : memref<160x128xf32, #tpu.memory_space<vmem>>) target_semaphore(%arg19 : memref<!tpu.dma_semaphore, #tpu.memory_space<semaphore_mem>>)
          %dma_start3A_168 = tpu.memref_slice %arg3[%mul3A_163] : memref<100000xi32, #tpu.memory_space<hbm>> -> memref<80xi32, #tpu.memory_space<hbm>>
          %dma_start3A_169 = tpu.memref_slice %arg3[%mul3A_163] : memref<100000xi32, #tpu.memory_space<hbm>> -> memref<80xi32, #tpu.memory_space<hbm>>
          tpu.enqueue_dma source(%dma_start3A_169 : memref<80xi32, #tpu.memory_space<hbm>>) target(%arg13 : memref<80xi32, #tpu.memory_space<vmem>>) target_semaphore(%arg22 : memref<!tpu.dma_semaphore, #tpu.memory_space<semaphore_mem>>)
          %add3A_170 = arith.constant 80 : i32
          %add3A_171 = arith.addi %mul3A_163, %add3A_170 : i32
          %dma_start3A_172 = tpu.memref_slice %arg3[%add3A_171] : memref<100000xi32, #tpu.memory_space<hbm>> -> memref<80xi32, #tpu.memory_space<hbm>>
          %dma_start3A_173 = tpu.memref_slice %arg3[%add3A_171] : memref<100000xi32, #tpu.memory_space<hbm>> -> memref<80xi32, #tpu.memory_space<hbm>>
          tpu.enqueue_dma source(%dma_start3A_173 : memref<80xi32, #tpu.memory_space<hbm>>) target(%arg14 : memref<80xi32, #tpu.memory_space<vmem>>) target_semaphore(%arg23 : memref<!tpu.dma_semaphore, #tpu.memory_space<semaphore_mem>>)
        } else {
        }
        %mul3A_120 = arith.constant 32 : i32
        %mul3A_121 = arith.muli %while3A_77, %mul3A_120 : i32
        %add3A_122 = arith.addi %add3A, %mul3A_121 : i32
        %mul3A_123 = arith.constant 160 : i32
        %mul3A_124 = arith.muli %add3A_122, %mul3A_123 : i32
        %dma_wait3A_125 = arith.constant 0 : i32
        %dma_wait3A_126 = tpu.memref_slice %arg2[%mul3A_124, %dma_wait3A_125] : memref<100000x128xf32, #tpu.memory_space<hbm>> -> memref<160x128xf32, #tpu.memory_space<hbm>>
        %dma_wait3A_127 = arith.constant 0 : i32
        %dma_wait3A_128 = tpu.memref_slice %arg2[%mul3A_124, %dma_wait3A_127] : memref<100000x128xf32, #tpu.memory_space<hbm>> -> memref<160x128xf32, #tpu.memory_space<hbm>>
        tpu.wait_dma2 semaphore(%arg18 : memref<!tpu.dma_semaphore, #tpu.memory_space<semaphore_mem>>) src(%dma_wait3A_128 : memref<160x128xf32, #tpu.memory_space<hbm>>) dst(%arg9 : memref<160x128xf32, #tpu.memory_space<vmem>>)
        %dma_wait3A_129 = tpu.memref_slice %arg3[%mul3A_124] : memref<100000xi32, #tpu.memory_space<hbm>> -> memref<80xi32, #tpu.memory_space<hbm>>
        %dma_wait3A_130 = tpu.memref_slice %arg3[%mul3A_124] : memref<100000xi32, #tpu.memory_space<hbm>> -> memref<80xi32, #tpu.memory_space<hbm>>
        tpu.wait_dma2 semaphore(%arg20 : memref<!tpu.dma_semaphore, #tpu.memory_space<semaphore_mem>>) src(%dma_wait3A_130 : memref<80xi32, #tpu.memory_space<hbm>>) dst(%arg11 : memref<80xi32, #tpu.memory_space<vmem>>)
        %add3A_131 = arith.constant 80 : i32
        %add3A_132 = arith.addi %mul3A_124, %add3A_131 : i32
        %dma_wait3A_133 = tpu.memref_slice %arg3[%add3A_132] : memref<100000xi32, #tpu.memory_space<hbm>> -> memref<80xi32, #tpu.memory_space<hbm>>
        %dma_wait3A_134 = tpu.memref_slice %arg3[%add3A_132] : memref<100000xi32, #tpu.memory_space<hbm>> -> memref<80xi32, #tpu.memory_space<hbm>>
        tpu.wait_dma2 semaphore(%arg21 : memref<!tpu.dma_semaphore, #tpu.memory_space<semaphore_mem>>) src(%dma_wait3A_134 : memref<80xi32, #tpu.memory_space<hbm>>) dst(%arg12 : memref<80xi32, #tpu.memory_space<vmem>>)
        %dma_start3A_135 = arith.constant 0 : i32
        %dma_start3A_136 = arith.constant 0 : i32
        %dma_start3A_137 = tpu.memref_slice %arg9[%dma_start3A_135, %dma_start3A_136] : memref<160x128xf32, #tpu.memory_space<vmem>> -> memref<80x128xf32, #tpu.memory_space<vmem>>
        %dma_start3A_138 = arith.constant 0 : i32
        %dma_start3A_139 = arith.constant 0 : i32
        %dma_start3A_140 = tpu.memref_slice %arg16[%dma_start3A_138, %dma_start3A_139] : memref<1024x128xf32, #tpu.memory_space<vmem_shared>> -> memref<1024x128xf32, #tpu.memory_space<vmem_shared>>
        tpu.enqueue_indirect_dma source(%dma_start3A_137 : memref<80x128xf32, #tpu.memory_space<vmem>>) target(%dma_start3A_140 : memref<1024x128xf32, #tpu.memory_space<vmem_shared>>) offsets(%arg11 : memref<80xi32, #tpu.memory_space<vmem>>) semaphore(%arg24 : memref<!tpu.dma_semaphore, #tpu.memory_space<semaphore_mem>>) {add = true}
        %dma_start3A_141 = arith.constant 0 : i32
        %dma_start3A_142 = arith.constant 0 : i32
        %dma_start3A_143 = tpu.memref_slice %arg17[%dma_start3A_141, %dma_start3A_142] : memref<1024x128xf32, #tpu.memory_space<vmem_shared>> -> memref<1024x128xf32, #tpu.memory_space<vmem_shared>>
        tpu.enqueue_indirect_dma source(%arg15 : memref<80x128xf32, #tpu.memory_space<vmem>>) target(%dma_start3A_143 : memref<1024x128xf32, #tpu.memory_space<vmem_shared>>) offsets(%arg11 : memref<80xi32, #tpu.memory_space<vmem>>) semaphore(%arg24 : memref<!tpu.dma_semaphore, #tpu.memory_space<semaphore_mem>>) {add = true}
        %dma_start3A_144 = arith.constant 80 : i32
        %dma_start3A_145 = arith.constant 0 : i32
        %dma_start3A_146 = tpu.memref_slice %arg9[%dma_start3A_144, %dma_start3A_145] : memref<160x128xf32, #tpu.memory_space<vmem>> -> memref<80x128xf32, #tpu.memory_space<vmem>>
        %dma_start3A_147 = arith.constant 0 : i32
        %dma_start3A_148 = arith.constant 0 : i32
        %dma_start3A_149 = tpu.memref_slice %arg16[%dma_start3A_147, %dma_start3A_148] : memref<1024x128xf32, #tpu.memory_space<vmem_shared>> -> memref<1024x128xf32, #tpu.memory_space<vmem_shared>>
        tpu.enqueue_indirect_dma source(%dma_start3A_146 : memref<80x128xf32, #tpu.memory_space<vmem>>) target(%dma_start3A_149 : memref<1024x128xf32, #tpu.memory_space<vmem_shared>>) offsets(%arg12 : memref<80xi32, #tpu.memory_space<vmem>>) semaphore(%arg24 : memref<!tpu.dma_semaphore, #tpu.memory_space<semaphore_mem>>) {add = true}
        %dma_start3A_150 = arith.constant 0 : i32
        %dma_start3A_151 = arith.constant 0 : i32
        %dma_start3A_152 = tpu.memref_slice %arg17[%dma_start3A_150, %dma_start3A_151] : memref<1024x128xf32, #tpu.memory_space<vmem_shared>> -> memref<1024x128xf32, #tpu.memory_space<vmem_shared>>
        tpu.enqueue_indirect_dma source(%arg15 : memref<80x128xf32, #tpu.memory_space<vmem>>) target(%dma_start3A_152 : memref<1024x128xf32, #tpu.memory_space<vmem_shared>>) offsets(%arg12 : memref<80xi32, #tpu.memory_space<vmem>>) semaphore(%arg24 : memref<!tpu.dma_semaphore, #tpu.memory_space<semaphore_mem>>) {add = true}
      } else {
      }
      %jit3A_93 = arith.constant 2 : i32
      %eq3A_94 = arith.constant 0 : i32
      %eq3A_95 = arith.cmpi eq, %jit3A_93, %eq3A_94 : i32
      %jit3A_96 = arith.constant 1 : i32
      %select_n3A_97 = arith.select %eq3A_95, %jit3A_96, %jit3A_93 : i32
      %rem3A_98 = arith.remsi %while3A_77, %select_n3A_97 : i32
      %ne3A_99 = arith.constant 0 : i32
      %ne3A_100 = arith.cmpi ne, %rem3A_98, %ne3A_99 : i32
      %lt3A_101 = arith.constant 0 : i32
      %lt3A_102 = arith.cmpi slt, %rem3A_98, %lt3A_101 : i32
      %lt3A_103 = arith.constant 0 : i32
      %lt3A_104 = arith.cmpi slt, %select_n3A_97, %lt3A_103 : i32
      %ne3A_105 = arith.xori %lt3A_102, %lt3A_104 : i1
      %and3A_106 = arith.andi %ne3A_105, %ne3A_100 : i1
      %add3A_107 = arith.addi %rem3A_98, %select_n3A_97 : i32
      %select_n3A_108 = arith.select %and3A_106, %add3A_107, %rem3A_98 : i32
      %eq3A_109 = arith.constant 1 : i32
      %eq3A_110 = arith.cmpi eq, %select_n3A_108, %eq3A_109 : i32
      %convert_element_type3A_111 = arith.extui %eq3A_110 : i1 to i32
      %cond3A_112 = arith.constant 0 : i32
      %cond3A_113 = arith.cmpi ne, %convert_element_type3A_111, %cond3A_112 : i32
      scf.if %cond3A_113 {
        %add3A_114 = arith.constant 1 : i32
        %add3A_115 = arith.addi %while3A_77, %add3A_114 : i32
        %lt3A_116 = arith.cmpi slt, %add3A_115, %select_n3A : i32
        %convert_element_type3A_117 = arith.extui %lt3A_116 : i1 to i32
        %cond3A_118 = arith.constant 0 : i32
        %cond3A_119 = arith.cmpi ne, %convert_element_type3A_117, %cond3A_118 : i32
        scf.if %cond3A_119 {
          %dma_wait3A_153 = arith.constant 0 : i32
          %dma_wait3A_154 = arith.constant 0 : i32
          %dma_wait3A_155 = tpu.memref_slice %arg9[%dma_wait3A_153, %dma_wait3A_154] : memref<160x128xf32, #tpu.memory_space<vmem>> -> memref<80x128xf32, #tpu.memory_space<vmem>>
          %dma_wait3A_156 = arith.constant 0 : i32
          %dma_wait3A_157 = arith.constant 0 : i32
          %dma_wait3A_158 = tpu.memref_slice %arg16[%dma_wait3A_156, %dma_wait3A_157] : memref<1024x128xf32, #tpu.memory_space<vmem_shared>> -> memref<1024x128xf32, #tpu.memory_space<vmem_shared>>
          tpu.wait_indirect_dma semaphore(%arg24 : memref<!tpu.dma_semaphore, #tpu.memory_space<semaphore_mem>>) src(%dma_wait3A_155 : memref<80x128xf32, #tpu.memory_space<vmem>>) dst(%dma_wait3A_158 : memref<1024x128xf32, #tpu.memory_space<vmem_shared>>)
          %dma_wait3A_159 = arith.constant 0 : i32
          %dma_wait3A_160 = arith.constant 0 : i32
          %dma_wait3A_161 = tpu.memref_slice %arg17[%dma_wait3A_159, %dma_wait3A_160] : memref<1024x128xf32, #tpu.memory_space<vmem_shared>> -> memref<1024x128xf32, #tpu.memory_space<vmem_shared>>
          tpu.wait_indirect_dma semaphore(%arg24 : memref<!tpu.dma_semaphore, #tpu.memory_space<semaphore_mem>>) src(%arg15 : memref<80x128xf32, #tpu.memory_space<vmem>>) dst(%dma_wait3A_161 : memref<1024x128xf32, #tpu.memory_space<vmem_shared>>)
          %dma_wait3A_162 = arith.constant 80 : i32
          %dma_wait3A_163 = arith.constant 0 : i32
          %dma_wait3A_164 = tpu.memref_slice %arg9[%dma_wait3A_162, %dma_wait3A_163] : memref<160x128xf32, #tpu.memory_space<vmem>> -> memref<80x128xf32, #tpu.memory_space<vmem>>
          %dma_wait3A_165 = arith.constant 0 : i32
          %dma_wait3A_166 = arith.constant 0 : i32
          %dma_wait3A_167 = tpu.memref_slice %arg16[%dma_wait3A_165, %dma_wait3A_166] : memref<1024x128xf32, #tpu.memory_space<vmem_shared>> -> memref<1024x128xf32, #tpu.memory_space<vmem_shared>>
          tpu.wait_indirect_dma semaphore(%arg24 : memref<!tpu.dma_semaphore, #tpu.memory_space<semaphore_mem>>) src(%dma_wait3A_164 : memref<80x128xf32, #tpu.memory_space<vmem>>) dst(%dma_wait3A_167 : memref<1024x128xf32, #tpu.memory_space<vmem_shared>>)
          %dma_wait3A_168 = arith.constant 0 : i32
          %dma_wait3A_169 = arith.constant 0 : i32
          %dma_wait3A_170 = tpu.memref_slice %arg17[%dma_wait3A_168, %dma_wait3A_169] : memref<1024x128xf32, #tpu.memory_space<vmem_shared>> -> memref<1024x128xf32, #tpu.memory_space<vmem_shared>>
          tpu.wait_indirect_dma semaphore(%arg24 : memref<!tpu.dma_semaphore, #tpu.memory_space<semaphore_mem>>) src(%arg15 : memref<80x128xf32, #tpu.memory_space<vmem>>) dst(%dma_wait3A_170 : memref<1024x128xf32, #tpu.memory_space<vmem_shared>>)
          %add3A_171 = arith.constant 1 : i32
          %add3A_172 = arith.addi %while3A_77, %add3A_171 : i32
          %mul3A_173 = arith.constant 32 : i32
          %mul3A_174 = arith.muli %add3A_172, %mul3A_173 : i32
          %add3A_175 = arith.addi %add3A, %mul3A_174 : i32
          %mul3A_176 = arith.constant 160 : i32
          %mul3A_177 = arith.muli %add3A_175, %mul3A_176 : i32
          %dma_start3A_178 = arith.constant 0 : i32
          %dma_start3A_179 = tpu.memref_slice %arg2[%mul3A_177, %dma_start3A_178] : memref<100000x128xf32, #tpu.memory_space<hbm>> -> memref<160x128xf32, #tpu.memory_space<hbm>>
          %dma_start3A_180 = arith.constant 0 : i32
          %dma_start3A_181 = tpu.memref_slice %arg2[%mul3A_177, %dma_start3A_180] : memref<100000x128xf32, #tpu.memory_space<hbm>> -> memref<160x128xf32, #tpu.memory_space<hbm>>
          tpu.enqueue_dma source(%dma_start3A_181 : memref<160x128xf32, #tpu.memory_space<hbm>>) target(%arg9 : memref<160x128xf32, #tpu.memory_space<vmem>>) target_semaphore(%arg18 : memref<!tpu.dma_semaphore, #tpu.memory_space<semaphore_mem>>)
          %dma_start3A_182 = tpu.memref_slice %arg3[%mul3A_177] : memref<100000xi32, #tpu.memory_space<hbm>> -> memref<80xi32, #tpu.memory_space<hbm>>
          %dma_start3A_183 = tpu.memref_slice %arg3[%mul3A_177] : memref<100000xi32, #tpu.memory_space<hbm>> -> memref<80xi32, #tpu.memory_space<hbm>>
          tpu.enqueue_dma source(%dma_start3A_183 : memref<80xi32, #tpu.memory_space<hbm>>) target(%arg11 : memref<80xi32, #tpu.memory_space<vmem>>) target_semaphore(%arg20 : memref<!tpu.dma_semaphore, #tpu.memory_space<semaphore_mem>>)
          %add3A_184 = arith.constant 80 : i32
          %add3A_185 = arith.addi %mul3A_177, %add3A_184 : i32
          %dma_start3A_186 = tpu.memref_slice %arg3[%add3A_185] : memref<100000xi32, #tpu.memory_space<hbm>> -> memref<80xi32, #tpu.memory_space<hbm>>
          %dma_start3A_187 = tpu.memref_slice %arg3[%add3A_185] : memref<100000xi32, #tpu.memory_space<hbm>> -> memref<80xi32, #tpu.memory_space<hbm>>
          tpu.enqueue_dma source(%dma_start3A_187 : memref<80xi32, #tpu.memory_space<hbm>>) target(%arg12 : memref<80xi32, #tpu.memory_space<vmem>>) target_semaphore(%arg21 : memref<!tpu.dma_semaphore, #tpu.memory_space<semaphore_mem>>)
        } else {
        }
        %mul3A_120 = arith.constant 32 : i32
        %mul3A_121 = arith.muli %while3A_77, %mul3A_120 : i32
        %add3A_122 = arith.addi %add3A, %mul3A_121 : i32
        %mul3A_123 = arith.constant 160 : i32
        %mul3A_124 = arith.muli %add3A_122, %mul3A_123 : i32
        %dma_wait3A_125 = arith.constant 0 : i32
        %dma_wait3A_126 = tpu.memref_slice %arg2[%mul3A_124, %dma_wait3A_125] : memref<100000x128xf32, #tpu.memory_space<hbm>> -> memref<160x128xf32, #tpu.memory_space<hbm>>
        %dma_wait3A_127 = arith.constant 0 : i32
        %dma_wait3A_128 = tpu.memref_slice %arg2[%mul3A_124, %dma_wait3A_127] : memref<100000x128xf32, #tpu.memory_space<hbm>> -> memref<160x128xf32, #tpu.memory_space<hbm>>
        tpu.wait_dma2 semaphore(%arg19 : memref<!tpu.dma_semaphore, #tpu.memory_space<semaphore_mem>>) src(%dma_wait3A_128 : memref<160x128xf32, #tpu.memory_space<hbm>>) dst(%arg10 : memref<160x128xf32, #tpu.memory_space<vmem>>)
        %dma_wait3A_129 = tpu.memref_slice %arg3[%mul3A_124] : memref<100000xi32, #tpu.memory_space<hbm>> -> memref<80xi32, #tpu.memory_space<hbm>>
        %dma_wait3A_130 = tpu.memref_slice %arg3[%mul3A_124] : memref<100000xi32, #tpu.memory_space<hbm>> -> memref<80xi32, #tpu.memory_space<hbm>>
        tpu.wait_dma2 semaphore(%arg22 : memref<!tpu.dma_semaphore, #tpu.memory_space<semaphore_mem>>) src(%dma_wait3A_130 : memref<80xi32, #tpu.memory_space<hbm>>) dst(%arg13 : memref<80xi32, #tpu.memory_space<vmem>>)
        %add3A_131 = arith.constant 80 : i32
        %add3A_132 = arith.addi %mul3A_124, %add3A_131 : i32
        %dma_wait3A_133 = tpu.memref_slice %arg3[%add3A_132] : memref<100000xi32, #tpu.memory_space<hbm>> -> memref<80xi32, #tpu.memory_space<hbm>>
        %dma_wait3A_134 = tpu.memref_slice %arg3[%add3A_132] : memref<100000xi32, #tpu.memory_space<hbm>> -> memref<80xi32, #tpu.memory_space<hbm>>
        tpu.wait_dma2 semaphore(%arg23 : memref<!tpu.dma_semaphore, #tpu.memory_space<semaphore_mem>>) src(%dma_wait3A_134 : memref<80xi32, #tpu.memory_space<hbm>>) dst(%arg14 : memref<80xi32, #tpu.memory_space<vmem>>)
        %dma_start3A_135 = arith.constant 0 : i32
        %dma_start3A_136 = arith.constant 0 : i32
        %dma_start3A_137 = tpu.memref_slice %arg10[%dma_start3A_135, %dma_start3A_136] : memref<160x128xf32, #tpu.memory_space<vmem>> -> memref<80x128xf32, #tpu.memory_space<vmem>>
        %dma_start3A_138 = arith.constant 0 : i32
        %dma_start3A_139 = arith.constant 0 : i32
        %dma_start3A_140 = tpu.memref_slice %arg16[%dma_start3A_138, %dma_start3A_139] : memref<1024x128xf32, #tpu.memory_space<vmem_shared>> -> memref<1024x128xf32, #tpu.memory_space<vmem_shared>>
        tpu.enqueue_indirect_dma source(%dma_start3A_137 : memref<80x128xf32, #tpu.memory_space<vmem>>) target(%dma_start3A_140 : memref<1024x128xf32, #tpu.memory_space<vmem_shared>>) offsets(%arg13 : memref<80xi32, #tpu.memory_space<vmem>>) semaphore(%arg25 : memref<!tpu.dma_semaphore, #tpu.memory_space<semaphore_mem>>) {add = true}
        %dma_start3A_141 = arith.constant 0 : i32
        %dma_start3A_142 = arith.constant 0 : i32
        %dma_start3A_143 = tpu.memref_slice %arg17[%dma_start3A_141, %dma_start3A_142] : memref<1024x128xf32, #tpu.memory_space<vmem_shared>> -> memref<1024x128xf32, #tpu.memory_space<vmem_shared>>
        tpu.enqueue_indirect_dma source(%arg15 : memref<80x128xf32, #tpu.memory_space<vmem>>) target(%dma_start3A_143 : memref<1024x128xf32, #tpu.memory_space<vmem_shared>>) offsets(%arg13 : memref<80xi32, #tpu.memory_space<vmem>>) semaphore(%arg25 : memref<!tpu.dma_semaphore, #tpu.memory_space<semaphore_mem>>) {add = true}
        %dma_start3A_144 = arith.constant 80 : i32
        %dma_start3A_145 = arith.constant 0 : i32
        %dma_start3A_146 = tpu.memref_slice %arg10[%dma_start3A_144, %dma_start3A_145] : memref<160x128xf32, #tpu.memory_space<vmem>> -> memref<80x128xf32, #tpu.memory_space<vmem>>
        %dma_start3A_147 = arith.constant 0 : i32
        %dma_start3A_148 = arith.constant 0 : i32
        %dma_start3A_149 = tpu.memref_slice %arg16[%dma_start3A_147, %dma_start3A_148] : memref<1024x128xf32, #tpu.memory_space<vmem_shared>> -> memref<1024x128xf32, #tpu.memory_space<vmem_shared>>
        tpu.enqueue_indirect_dma source(%dma_start3A_146 : memref<80x128xf32, #tpu.memory_space<vmem>>) target(%dma_start3A_149 : memref<1024x128xf32, #tpu.memory_space<vmem_shared>>) offsets(%arg14 : memref<80xi32, #tpu.memory_space<vmem>>) semaphore(%arg25 : memref<!tpu.dma_semaphore, #tpu.memory_space<semaphore_mem>>) {add = true}
        %dma_start3A_150 = arith.constant 0 : i32
        %dma_start3A_151 = arith.constant 0 : i32
        %dma_start3A_152 = tpu.memref_slice %arg17[%dma_start3A_150, %dma_start3A_151] : memref<1024x128xf32, #tpu.memory_space<vmem_shared>> -> memref<1024x128xf32, #tpu.memory_space<vmem_shared>>
        tpu.enqueue_indirect_dma source(%arg15 : memref<80x128xf32, #tpu.memory_space<vmem>>) target(%dma_start3A_152 : memref<1024x128xf32, #tpu.memory_space<vmem_shared>>) offsets(%arg14 : memref<80xi32, #tpu.memory_space<vmem>>) semaphore(%arg25 : memref<!tpu.dma_semaphore, #tpu.memory_space<semaphore_mem>>) {add = true}
      } else {
      }
    }
    %while3A_32 = arith.constant 1 : i32
    scf.for %while3A_77 = %while3A_30 to %while3A_26 step %while3A_32  : i32 {
      %jit3A_78 = arith.constant 2 : i32
      %eq3A = arith.constant 0 : i32
      %eq3A_79 = arith.cmpi eq, %jit3A_78, %eq3A : i32
      %jit3A_80 = arith.constant 1 : i32
      %select_n3A_81 = arith.select %eq3A_79, %jit3A_80, %jit3A_78 : i32
      %rem3A = arith.remsi %while3A_77, %select_n3A_81 : i32
      %ne3A = arith.constant 0 : i32
      %ne3A_82 = arith.cmpi ne, %rem3A, %ne3A : i32
      %lt3A_83 = arith.constant 0 : i32
      %lt3A_84 = arith.cmpi slt, %rem3A, %lt3A_83 : i32
      %lt3A_85 = arith.constant 0 : i32
      %lt3A_86 = arith.cmpi slt, %select_n3A_81, %lt3A_85 : i32
      %ne3A_87 = arith.xori %lt3A_84, %lt3A_86 : i1
      %and3A = arith.andi %ne3A_87, %ne3A_82 : i1
      %add3A_88 = arith.addi %rem3A, %select_n3A_81 : i32
      %select_n3A_89 = arith.select %and3A, %add3A_88, %rem3A : i32
      %eq3A_90 = arith.constant 0 : i32
      %eq3A_91 = arith.cmpi eq, %select_n3A_89, %eq3A_90 : i32
      %convert_element_type3A = arith.extui %eq3A_91 : i1 to i32
      %cond3A = arith.constant 0 : i32
      %cond3A_92 = arith.cmpi ne, %convert_element_type3A, %cond3A : i32
      scf.if %cond3A_92 {
        %add3A_114 = arith.constant 1 : i32
        %add3A_115 = arith.addi %while3A_77, %add3A_114 : i32
        %lt3A_116 = arith.cmpi slt, %add3A_115, %select_n3A : i32
        %convert_element_type3A_117 = arith.extui %lt3A_116 : i1 to i32
        %cond3A_118 = arith.constant 0 : i32
        %cond3A_119 = arith.cmpi ne, %convert_element_type3A_117, %cond3A_118 : i32
        scf.if %cond3A_119 {
          %gt3A = arith.constant 0 : i32
          %gt3A_153 = arith.cmpi sgt, %while3A_77, %gt3A : i32
          %convert_element_type3A_154 = arith.extui %gt3A_153 : i1 to i32
          %cond3A_155 = arith.constant 0 : i32
          %cond3A_156 = arith.cmpi ne, %convert_element_type3A_154, %cond3A_155 : i32
          scf.if %cond3A_156 {
            %dma_wait3A_174 = arith.constant 0 : i32
            %dma_wait3A_175 = arith.constant 0 : i32
            %dma_wait3A_176 = tpu.memref_slice %arg10[%dma_wait3A_174, %dma_wait3A_175] : memref<160x128xf32, #tpu.memory_space<vmem>> -> memref<80x128xf32, #tpu.memory_space<vmem>>
            %dma_wait3A_177 = arith.constant 0 : i32
            %dma_wait3A_178 = arith.constant 0 : i32
            %dma_wait3A_179 = tpu.memref_slice %arg16[%dma_wait3A_177, %dma_wait3A_178] : memref<1024x128xf32, #tpu.memory_space<vmem_shared>> -> memref<1024x128xf32, #tpu.memory_space<vmem_shared>>
            tpu.wait_indirect_dma semaphore(%arg25 : memref<!tpu.dma_semaphore, #tpu.memory_space<semaphore_mem>>) src(%dma_wait3A_176 : memref<80x128xf32, #tpu.memory_space<vmem>>) dst(%dma_wait3A_179 : memref<1024x128xf32, #tpu.memory_space<vmem_shared>>)
            %dma_wait3A_180 = arith.constant 0 : i32
            %dma_wait3A_181 = arith.constant 0 : i32
            %dma_wait3A_182 = tpu.memref_slice %arg17[%dma_wait3A_180, %dma_wait3A_181] : memref<1024x128xf32, #tpu.memory_space<vmem_shared>> -> memref<1024x128xf32, #tpu.memory_space<vmem_shared>>
            tpu.wait_indirect_dma semaphore(%arg25 : memref<!tpu.dma_semaphore, #tpu.memory_space<semaphore_mem>>) src(%arg15 : memref<80x128xf32, #tpu.memory_space<vmem>>) dst(%dma_wait3A_182 : memref<1024x128xf32, #tpu.memory_space<vmem_shared>>)
            %dma_wait3A_183 = arith.constant 80 : i32
            %dma_wait3A_184 = arith.constant 0 : i32
            %dma_wait3A_185 = tpu.memref_slice %arg10[%dma_wait3A_183, %dma_wait3A_184] : memref<160x128xf32, #tpu.memory_space<vmem>> -> memref<80x128xf32, #tpu.memory_space<vmem>>
            %dma_wait3A_186 = arith.constant 0 : i32
            %dma_wait3A_187 = arith.constant 0 : i32
            %dma_wait3A_188 = tpu.memref_slice %arg16[%dma_wait3A_186, %dma_wait3A_187] : memref<1024x128xf32, #tpu.memory_space<vmem_shared>> -> memref<1024x128xf32, #tpu.memory_space<vmem_shared>>
            tpu.wait_indirect_dma semaphore(%arg25 : memref<!tpu.dma_semaphore, #tpu.memory_space<semaphore_mem>>) src(%dma_wait3A_185 : memref<80x128xf32, #tpu.memory_space<vmem>>) dst(%dma_wait3A_188 : memref<1024x128xf32, #tpu.memory_space<vmem_shared>>)
            %dma_wait3A_189 = arith.constant 0 : i32
            %dma_wait3A_190 = arith.constant 0 : i32
            %dma_wait3A_191 = tpu.memref_slice %arg17[%dma_wait3A_189, %dma_wait3A_190] : memref<1024x128xf32, #tpu.memory_space<vmem_shared>> -> memref<1024x128xf32, #tpu.memory_space<vmem_shared>>
            tpu.wait_indirect_dma semaphore(%arg25 : memref<!tpu.dma_semaphore, #tpu.memory_space<semaphore_mem>>) src(%arg15 : memref<80x128xf32, #tpu.memory_space<vmem>>) dst(%dma_wait3A_191 : memref<1024x128xf32, #tpu.memory_space<vmem_shared>>)
          } else {
          }
          %add3A_157 = arith.constant 1 : i32
          %add3A_158 = arith.addi %while3A_77, %add3A_157 : i32
          %mul3A_159 = arith.constant 32 : i32
          %mul3A_160 = arith.muli %add3A_158, %mul3A_159 : i32
          %add3A_161 = arith.addi %add3A, %mul3A_160 : i32
          %mul3A_162 = arith.constant 160 : i32
          %mul3A_163 = arith.muli %add3A_161, %mul3A_162 : i32
          %dma_start3A_164 = arith.constant 0 : i32
          %dma_start3A_165 = tpu.memref_slice %arg2[%mul3A_163, %dma_start3A_164] : memref<100000x128xf32, #tpu.memory_space<hbm>> -> memref<160x128xf32, #tpu.memory_space<hbm>>
          %dma_start3A_166 = arith.constant 0 : i32
          %dma_start3A_167 = tpu.memref_slice %arg2[%mul3A_163, %dma_start3A_166] : memref<100000x128xf32, #tpu.memory_space<hbm>> -> memref<160x128xf32, #tpu.memory_space<hbm>>
          tpu.enqueue_dma source(%dma_start3A_167 : memref<160x128xf32, #tpu.memory_space<hbm>>) target(%arg10 : memref<160x128xf32, #tpu.memory_space<vmem>>) target_semaphore(%arg19 : memref<!tpu.dma_semaphore, #tpu.memory_space<semaphore_mem>>)
          %dma_start3A_168 = tpu.memref_slice %arg3[%mul3A_163] : memref<100000xi32, #tpu.memory_space<hbm>> -> memref<80xi32, #tpu.memory_space<hbm>>
          %dma_start3A_169 = tpu.memref_slice %arg3[%mul3A_163] : memref<100000xi32, #tpu.memory_space<hbm>> -> memref<80xi32, #tpu.memory_space<hbm>>
          tpu.enqueue_dma source(%dma_start3A_169 : memref<80xi32, #tpu.memory_space<hbm>>) target(%arg13 : memref<80xi32, #tpu.memory_space<vmem>>) target_semaphore(%arg22 : memref<!tpu.dma_semaphore, #tpu.memory_space<semaphore_mem>>)
          %add3A_170 = arith.constant 80 : i32
          %add3A_171 = arith.addi %mul3A_163, %add3A_170 : i32
          %dma_start3A_172 = tpu.memref_slice %arg3[%add3A_171] : memref<100000xi32, #tpu.memory_space<hbm>> -> memref<80xi32, #tpu.memory_space<hbm>>
          %dma_start3A_173 = tpu.memref_slice %arg3[%add3A_171] : memref<100000xi32, #tpu.memory_space<hbm>> -> memref<80xi32, #tpu.memory_space<hbm>>
          tpu.enqueue_dma source(%dma_start3A_173 : memref<80xi32, #tpu.memory_space<hbm>>) target(%arg14 : memref<80xi32, #tpu.memory_space<vmem>>) target_semaphore(%arg23 : memref<!tpu.dma_semaphore, #tpu.memory_space<semaphore_mem>>)
        } else {
        }
        %mul3A_120 = arith.constant 32 : i32
        %mul3A_121 = arith.muli %while3A_77, %mul3A_120 : i32
        %add3A_122 = arith.addi %add3A, %mul3A_121 : i32
        %mul3A_123 = arith.constant 160 : i32
        %mul3A_124 = arith.muli %add3A_122, %mul3A_123 : i32
        %dma_wait3A_125 = arith.constant 0 : i32
        %dma_wait3A_126 = tpu.memref_slice %arg2[%mul3A_124, %dma_wait3A_125] : memref<100000x128xf32, #tpu.memory_space<hbm>> -> memref<160x128xf32, #tpu.memory_space<hbm>>
        %dma_wait3A_127 = arith.constant 0 : i32
        %dma_wait3A_128 = tpu.memref_slice %arg2[%mul3A_124, %dma_wait3A_127] : memref<100000x128xf32, #tpu.memory_space<hbm>> -> memref<160x128xf32, #tpu.memory_space<hbm>>
        tpu.wait_dma2 semaphore(%arg18 : memref<!tpu.dma_semaphore, #tpu.memory_space<semaphore_mem>>) src(%dma_wait3A_128 : memref<160x128xf32, #tpu.memory_space<hbm>>) dst(%arg9 : memref<160x128xf32, #tpu.memory_space<vmem>>)
        %dma_wait3A_129 = tpu.memref_slice %arg3[%mul3A_124] : memref<100000xi32, #tpu.memory_space<hbm>> -> memref<80xi32, #tpu.memory_space<hbm>>
        %dma_wait3A_130 = tpu.memref_slice %arg3[%mul3A_124] : memref<100000xi32, #tpu.memory_space<hbm>> -> memref<80xi32, #tpu.memory_space<hbm>>
        tpu.wait_dma2 semaphore(%arg20 : memref<!tpu.dma_semaphore, #tpu.memory_space<semaphore_mem>>) src(%dma_wait3A_130 : memref<80xi32, #tpu.memory_space<hbm>>) dst(%arg11 : memref<80xi32, #tpu.memory_space<vmem>>)
        %add3A_131 = arith.constant 80 : i32
        %add3A_132 = arith.addi %mul3A_124, %add3A_131 : i32
        %dma_wait3A_133 = tpu.memref_slice %arg3[%add3A_132] : memref<100000xi32, #tpu.memory_space<hbm>> -> memref<80xi32, #tpu.memory_space<hbm>>
        %dma_wait3A_134 = tpu.memref_slice %arg3[%add3A_132] : memref<100000xi32, #tpu.memory_space<hbm>> -> memref<80xi32, #tpu.memory_space<hbm>>
        tpu.wait_dma2 semaphore(%arg21 : memref<!tpu.dma_semaphore, #tpu.memory_space<semaphore_mem>>) src(%dma_wait3A_134 : memref<80xi32, #tpu.memory_space<hbm>>) dst(%arg12 : memref<80xi32, #tpu.memory_space<vmem>>)
        %dma_start3A_135 = arith.constant 0 : i32
        %dma_start3A_136 = arith.constant 0 : i32
        %dma_start3A_137 = tpu.memref_slice %arg9[%dma_start3A_135, %dma_start3A_136] : memref<160x128xf32, #tpu.memory_space<vmem>> -> memref<80x128xf32, #tpu.memory_space<vmem>>
        %dma_start3A_138 = arith.constant 0 : i32
        %dma_start3A_139 = arith.constant 0 : i32
        %dma_start3A_140 = tpu.memref_slice %arg16[%dma_start3A_138, %dma_start3A_139] : memref<1024x128xf32, #tpu.memory_space<vmem_shared>> -> memref<1024x128xf32, #tpu.memory_space<vmem_shared>>
        tpu.enqueue_indirect_dma source(%dma_start3A_137 : memref<80x128xf32, #tpu.memory_space<vmem>>) target(%dma_start3A_140 : memref<1024x128xf32, #tpu.memory_space<vmem_shared>>) offsets(%arg11 : memref<80xi32, #tpu.memory_space<vmem>>) semaphore(%arg24 : memref<!tpu.dma_semaphore, #tpu.memory_space<semaphore_mem>>) {add = true}
        %dma_start3A_141 = arith.constant 0 : i32
        %dma_start3A_142 = arith.constant 0 : i32
        %dma_start3A_143 = tpu.memref_slice %arg17[%dma_start3A_141, %dma_start3A_142] : memref<1024x128xf32, #tpu.memory_space<vmem_shared>> -> memref<1024x128xf32, #tpu.memory_space<vmem_shared>>
        tpu.enqueue_indirect_dma source(%arg15 : memref<80x128xf32, #tpu.memory_space<vmem>>) target(%dma_start3A_143 : memref<1024x128xf32, #tpu.memory_space<vmem_shared>>) offsets(%arg11 : memref<80xi32, #tpu.memory_space<vmem>>) semaphore(%arg24 : memref<!tpu.dma_semaphore, #tpu.memory_space<semaphore_mem>>) {add = true}
        %dma_start3A_144 = arith.constant 80 : i32
        %dma_start3A_145 = arith.constant 0 : i32
        %dma_start3A_146 = tpu.memref_slice %arg9[%dma_start3A_144, %dma_start3A_145] : memref<160x128xf32, #tpu.memory_space<vmem>> -> memref<80x128xf32, #tpu.memory_space<vmem>>
        %dma_start3A_147 = arith.constant 0 : i32
        %dma_start3A_148 = arith.constant 0 : i32
        %dma_start3A_149 = tpu.memref_slice %arg16[%dma_start3A_147, %dma_start3A_148] : memref<1024x128xf32, #tpu.memory_space<vmem_shared>> -> memref<1024x128xf32, #tpu.memory_space<vmem_shared>>
        tpu.enqueue_indirect_dma source(%dma_start3A_146 : memref<80x128xf32, #tpu.memory_space<vmem>>) target(%dma_start3A_149 : memref<1024x128xf32, #tpu.memory_space<vmem_shared>>) offsets(%arg12 : memref<80xi32, #tpu.memory_space<vmem>>) semaphore(%arg24 : memref<!tpu.dma_semaphore, #tpu.memory_space<semaphore_mem>>) {add = true}
        %dma_start3A_150 = arith.constant 0 : i32
        %dma_start3A_151 = arith.constant 0 : i32
        %dma_start3A_152 = tpu.memref_slice %arg17[%dma_start3A_150, %dma_start3A_151] : memref<1024x128xf32, #tpu.memory_space<vmem_shared>> -> memref<1024x128xf32, #tpu.memory_space<vmem_shared>>
        tpu.enqueue_indirect_dma source(%arg15 : memref<80x128xf32, #tpu.memory_space<vmem>>) target(%dma_start3A_152 : memref<1024x128xf32, #tpu.memory_space<vmem_shared>>) offsets(%arg12 : memref<80xi32, #tpu.memory_space<vmem>>) semaphore(%arg24 : memref<!tpu.dma_semaphore, #tpu.memory_space<semaphore_mem>>) {add = true}
      } else {
      }
      %jit3A_93 = arith.constant 2 : i32
      %eq3A_94 = arith.constant 0 : i32
      %eq3A_95 = arith.cmpi eq, %jit3A_93, %eq3A_94 : i32
      %jit3A_96 = arith.constant 1 : i32
      %select_n3A_97 = arith.select %eq3A_95, %jit3A_96, %jit3A_93 : i32
      %rem3A_98 = arith.remsi %while3A_77, %select_n3A_97 : i32
      %ne3A_99 = arith.constant 0 : i32
      %ne3A_100 = arith.cmpi ne, %rem3A_98, %ne3A_99 : i32
      %lt3A_101 = arith.constant 0 : i32
      %lt3A_102 = arith.cmpi slt, %rem3A_98, %lt3A_101 : i32
      %lt3A_103 = arith.constant 0 : i32
      %lt3A_104 = arith.cmpi slt, %select_n3A_97, %lt3A_103 : i32
      %ne3A_105 = arith.xori %lt3A_102, %lt3A_104 : i1
      %and3A_106 = arith.andi %ne3A_105, %ne3A_100 : i1
      %add3A_107 = arith.addi %rem3A_98, %select_n3A_97 : i32
      %select_n3A_108 = arith.select %and3A_106, %add3A_107, %rem3A_98 : i32
      %eq3A_109 = arith.constant 1 : i32
      %eq3A_110 = arith.cmpi eq, %select_n3A_108, %eq3A_109 : i32
      %convert_element_type3A_111 = arith.extui %eq3A_110 : i1 to i32
      %cond3A_112 = arith.constant 0 : i32
      %cond3A_113 = arith.cmpi ne, %convert_element_type3A_111, %cond3A_112 : i32
      scf.if %cond3A_113 {
        %add3A_114 = arith.constant 1 : i32
        %add3A_115 = arith.addi %while3A_77, %add3A_114 : i32
        %lt3A_116 = arith.cmpi slt, %add3A_115, %select_n3A : i32
        %convert_element_type3A_117 = arith.extui %lt3A_116 : i1 to i32
        %cond3A_118 = arith.constant 0 : i32
        %cond3A_119 = arith.cmpi ne, %convert_element_type3A_117, %cond3A_118 : i32
        scf.if %cond3A_119 {
          %dma_wait3A_153 = arith.constant 0 : i32
          %dma_wait3A_154 = arith.constant 0 : i32
          %dma_wait3A_155 = tpu.memref_slice %arg9[%dma_wait3A_153, %dma_wait3A_154] : memref<160x128xf32, #tpu.memory_space<vmem>> -> memref<80x128xf32, #tpu.memory_space<vmem>>
          %dma_wait3A_156 = arith.constant 0 : i32
          %dma_wait3A_157 = arith.constant 0 : i32
          %dma_wait3A_158 = tpu.memref_slice %arg16[%dma_wait3A_156, %dma_wait3A_157] : memref<1024x128xf32, #tpu.memory_space<vmem_shared>> -> memref<1024x128xf32, #tpu.memory_space<vmem_shared>>
          tpu.wait_indirect_dma semaphore(%arg24 : memref<!tpu.dma_semaphore, #tpu.memory_space<semaphore_mem>>) src(%dma_wait3A_155 : memref<80x128xf32, #tpu.memory_space<vmem>>) dst(%dma_wait3A_158 : memref<1024x128xf32, #tpu.memory_space<vmem_shared>>)
          %dma_wait3A_159 = arith.constant 0 : i32
          %dma_wait3A_160 = arith.constant 0 : i32
          %dma_wait3A_161 = tpu.memref_slice %arg17[%dma_wait3A_159, %dma_wait3A_160] : memref<1024x128xf32, #tpu.memory_space<vmem_shared>> -> memref<1024x128xf32, #tpu.memory_space<vmem_shared>>
          tpu.wait_indirect_dma semaphore(%arg24 : memref<!tpu.dma_semaphore, #tpu.memory_space<semaphore_mem>>) src(%arg15 : memref<80x128xf32, #tpu.memory_space<vmem>>) dst(%dma_wait3A_161 : memref<1024x128xf32, #tpu.memory_space<vmem_shared>>)
          %dma_wait3A_162 = arith.constant 80 : i32
          %dma_wait3A_163 = arith.constant 0 : i32
          %dma_wait3A_164 = tpu.memref_slice %arg9[%dma_wait3A_162, %dma_wait3A_163] : memref<160x128xf32, #tpu.memory_space<vmem>> -> memref<80x128xf32, #tpu.memory_space<vmem>>
          %dma_wait3A_165 = arith.constant 0 : i32
          %dma_wait3A_166 = arith.constant 0 : i32
          %dma_wait3A_167 = tpu.memref_slice %arg16[%dma_wait3A_165, %dma_wait3A_166] : memref<1024x128xf32, #tpu.memory_space<vmem_shared>> -> memref<1024x128xf32, #tpu.memory_space<vmem_shared>>
          tpu.wait_indirect_dma semaphore(%arg24 : memref<!tpu.dma_semaphore, #tpu.memory_space<semaphore_mem>>) src(%dma_wait3A_164 : memref<80x128xf32, #tpu.memory_space<vmem>>) dst(%dma_wait3A_167 : memref<1024x128xf32, #tpu.memory_space<vmem_shared>>)
          %dma_wait3A_168 = arith.constant 0 : i32
          %dma_wait3A_169 = arith.constant 0 : i32
          %dma_wait3A_170 = tpu.memref_slice %arg17[%dma_wait3A_168, %dma_wait3A_169] : memref<1024x128xf32, #tpu.memory_space<vmem_shared>> -> memref<1024x128xf32, #tpu.memory_space<vmem_shared>>
          tpu.wait_indirect_dma semaphore(%arg24 : memref<!tpu.dma_semaphore, #tpu.memory_space<semaphore_mem>>) src(%arg15 : memref<80x128xf32, #tpu.memory_space<vmem>>) dst(%dma_wait3A_170 : memref<1024x128xf32, #tpu.memory_space<vmem_shared>>)
          %add3A_171 = arith.constant 1 : i32
          %add3A_172 = arith.addi %while3A_77, %add3A_171 : i32
          %mul3A_173 = arith.constant 32 : i32
          %mul3A_174 = arith.muli %add3A_172, %mul3A_173 : i32
          %add3A_175 = arith.addi %add3A, %mul3A_174 : i32
          %mul3A_176 = arith.constant 160 : i32
          %mul3A_177 = arith.muli %add3A_175, %mul3A_176 : i32
          %dma_start3A_178 = arith.constant 0 : i32
          %dma_start3A_179 = tpu.memref_slice %arg2[%mul3A_177, %dma_start3A_178] : memref<100000x128xf32, #tpu.memory_space<hbm>> -> memref<160x128xf32, #tpu.memory_space<hbm>>
          %dma_start3A_180 = arith.constant 0 : i32
          %dma_start3A_181 = tpu.memref_slice %arg2[%mul3A_177, %dma_start3A_180] : memref<100000x128xf32, #tpu.memory_space<hbm>> -> memref<160x128xf32, #tpu.memory_space<hbm>>
          tpu.enqueue_dma source(%dma_start3A_181 : memref<160x128xf32, #tpu.memory_space<hbm>>) target(%arg9 : memref<160x128xf32, #tpu.memory_space<vmem>>) target_semaphore(%arg18 : memref<!tpu.dma_semaphore, #tpu.memory_space<semaphore_mem>>)
          %dma_start3A_182 = tpu.memref_slice %arg3[%mul3A_177] : memref<100000xi32, #tpu.memory_space<hbm>> -> memref<80xi32, #tpu.memory_space<hbm>>
          %dma_start3A_183 = tpu.memref_slice %arg3[%mul3A_177] : memref<100000xi32, #tpu.memory_space<hbm>> -> memref<80xi32, #tpu.memory_space<hbm>>
          tpu.enqueue_dma source(%dma_start3A_183 : memref<80xi32, #tpu.memory_space<hbm>>) target(%arg11 : memref<80xi32, #tpu.memory_space<vmem>>) target_semaphore(%arg20 : memref<!tpu.dma_semaphore, #tpu.memory_space<semaphore_mem>>)
          %add3A_184 = arith.constant 80 : i32
          %add3A_185 = arith.addi %mul3A_177, %add3A_184 : i32
          %dma_start3A_186 = tpu.memref_slice %arg3[%add3A_185] : memref<100000xi32, #tpu.memory_space<hbm>> -> memref<80xi32, #tpu.memory_space<hbm>>
          %dma_start3A_187 = tpu.memref_slice %arg3[%add3A_185] : memref<100000xi32, #tpu.memory_space<hbm>> -> memref<80xi32, #tpu.memory_space<hbm>>
          tpu.enqueue_dma source(%dma_start3A_187 : memref<80xi32, #tpu.memory_space<hbm>>) target(%arg12 : memref<80xi32, #tpu.memory_space<vmem>>) target_semaphore(%arg21 : memref<!tpu.dma_semaphore, #tpu.memory_space<semaphore_mem>>)
        } else {
        }
        %mul3A_120 = arith.constant 32 : i32
        %mul3A_121 = arith.muli %while3A_77, %mul3A_120 : i32
        %add3A_122 = arith.addi %add3A, %mul3A_121 : i32
        %mul3A_123 = arith.constant 160 : i32
        %mul3A_124 = arith.muli %add3A_122, %mul3A_123 : i32
        %dma_wait3A_125 = arith.constant 0 : i32
        %dma_wait3A_126 = tpu.memref_slice %arg2[%mul3A_124, %dma_wait3A_125] : memref<100000x128xf32, #tpu.memory_space<hbm>> -> memref<160x128xf32, #tpu.memory_space<hbm>>
        %dma_wait3A_127 = arith.constant 0 : i32
        %dma_wait3A_128 = tpu.memref_slice %arg2[%mul3A_124, %dma_wait3A_127] : memref<100000x128xf32, #tpu.memory_space<hbm>> -> memref<160x128xf32, #tpu.memory_space<hbm>>
        tpu.wait_dma2 semaphore(%arg19 : memref<!tpu.dma_semaphore, #tpu.memory_space<semaphore_mem>>) src(%dma_wait3A_128 : memref<160x128xf32, #tpu.memory_space<hbm>>) dst(%arg10 : memref<160x128xf32, #tpu.memory_space<vmem>>)
        %dma_wait3A_129 = tpu.memref_slice %arg3[%mul3A_124] : memref<100000xi32, #tpu.memory_space<hbm>> -> memref<80xi32, #tpu.memory_space<hbm>>
        %dma_wait3A_130 = tpu.memref_slice %arg3[%mul3A_124] : memref<100000xi32, #tpu.memory_space<hbm>> -> memref<80xi32, #tpu.memory_space<hbm>>
        tpu.wait_dma2 semaphore(%arg22 : memref<!tpu.dma_semaphore, #tpu.memory_space<semaphore_mem>>) src(%dma_wait3A_130 : memref<80xi32, #tpu.memory_space<hbm>>) dst(%arg13 : memref<80xi32, #tpu.memory_space<vmem>>)
        %add3A_131 = arith.constant 80 : i32
        %add3A_132 = arith.addi %mul3A_124, %add3A_131 : i32
        %dma_wait3A_133 = tpu.memref_slice %arg3[%add3A_132] : memref<100000xi32, #tpu.memory_space<hbm>> -> memref<80xi32, #tpu.memory_space<hbm>>
        %dma_wait3A_134 = tpu.memref_slice %arg3[%add3A_132] : memref<100000xi32, #tpu.memory_space<hbm>> -> memref<80xi32, #tpu.memory_space<hbm>>
        tpu.wait_dma2 semaphore(%arg23 : memref<!tpu.dma_semaphore, #tpu.memory_space<semaphore_mem>>) src(%dma_wait3A_134 : memref<80xi32, #tpu.memory_space<hbm>>) dst(%arg14 : memref<80xi32, #tpu.memory_space<vmem>>)
        %dma_start3A_135 = arith.constant 0 : i32
        %dma_start3A_136 = arith.constant 0 : i32
        %dma_start3A_137 = tpu.memref_slice %arg10[%dma_start3A_135, %dma_start3A_136] : memref<160x128xf32, #tpu.memory_space<vmem>> -> memref<80x128xf32, #tpu.memory_space<vmem>>
        %dma_start3A_138 = arith.constant 0 : i32
        %dma_start3A_139 = arith.constant 0 : i32
        %dma_start3A_140 = tpu.memref_slice %arg16[%dma_start3A_138, %dma_start3A_139] : memref<1024x128xf32, #tpu.memory_space<vmem_shared>> -> memref<1024x128xf32, #tpu.memory_space<vmem_shared>>
        tpu.enqueue_indirect_dma source(%dma_start3A_137 : memref<80x128xf32, #tpu.memory_space<vmem>>) target(%dma_start3A_140 : memref<1024x128xf32, #tpu.memory_space<vmem_shared>>) offsets(%arg13 : memref<80xi32, #tpu.memory_space<vmem>>) semaphore(%arg25 : memref<!tpu.dma_semaphore, #tpu.memory_space<semaphore_mem>>) {add = true}
        %dma_start3A_141 = arith.constant 0 : i32
        %dma_start3A_142 = arith.constant 0 : i32
        %dma_start3A_143 = tpu.memref_slice %arg17[%dma_start3A_141, %dma_start3A_142] : memref<1024x128xf32, #tpu.memory_space<vmem_shared>> -> memref<1024x128xf32, #tpu.memory_space<vmem_shared>>
        tpu.enqueue_indirect_dma source(%arg15 : memref<80x128xf32, #tpu.memory_space<vmem>>) target(%dma_start3A_143 : memref<1024x128xf32, #tpu.memory_space<vmem_shared>>) offsets(%arg13 : memref<80xi32, #tpu.memory_space<vmem>>) semaphore(%arg25 : memref<!tpu.dma_semaphore, #tpu.memory_space<semaphore_mem>>) {add = true}
        %dma_start3A_144 = arith.constant 80 : i32
        %dma_start3A_145 = arith.constant 0 : i32
        %dma_start3A_146 = tpu.memref_slice %arg10[%dma_start3A_144, %dma_start3A_145] : memref<160x128xf32, #tpu.memory_space<vmem>> -> memref<80x128xf32, #tpu.memory_space<vmem>>
        %dma_start3A_147 = arith.constant 0 : i32
        %dma_start3A_148 = arith.constant 0 : i32
        %dma_start3A_149 = tpu.memref_slice %arg16[%dma_start3A_147, %dma_start3A_148] : memref<1024x128xf32, #tpu.memory_space<vmem_shared>> -> memref<1024x128xf32, #tpu.memory_space<vmem_shared>>
        tpu.enqueue_indirect_dma source(%dma_start3A_146 : memref<80x128xf32, #tpu.memory_space<vmem>>) target(%dma_start3A_149 : memref<1024x128xf32, #tpu.memory_space<vmem_shared>>) offsets(%arg14 : memref<80xi32, #tpu.memory_space<vmem>>) semaphore(%arg25 : memref<!tpu.dma_semaphore, #tpu.memory_space<semaphore_mem>>) {add = true}
        %dma_start3A_150 = arith.constant 0 : i32
        %dma_start3A_151 = arith.constant 0 : i32
        %dma_start3A_152 = tpu.memref_slice %arg17[%dma_start3A_150, %dma_start3A_151] : memref<1024x128xf32, #tpu.memory_space<vmem_shared>> -> memref<1024x128xf32, #tpu.memory_space<vmem_shared>>
        tpu.enqueue_indirect_dma source(%arg15 : memref<80x128xf32, #tpu.memory_space<vmem>>) target(%dma_start3A_152 : memref<1024x128xf32, #tpu.memory_space<vmem_shared>>) offsets(%arg14 : memref<80xi32, #tpu.memory_space<vmem>>) semaphore(%arg25 : memref<!tpu.dma_semaphore, #tpu.memory_space<semaphore_mem>>) {add = true}
      } else {
      }
    }
    %dma_wait3A = arith.constant 0 : i32
    %dma_wait3A_33 = arith.constant 0 : i32
    %dma_wait3A_34 = tpu.memref_slice %arg9[%dma_wait3A, %dma_wait3A_33] : memref<160x128xf32, #tpu.memory_space<vmem>> -> memref<80x128xf32, #tpu.memory_space<vmem>>
    %dma_wait3A_35 = arith.constant 0 : i32
    %dma_wait3A_36 = arith.constant 0 : i32
    %dma_wait3A_37 = tpu.memref_slice %arg16[%dma_wait3A_35, %dma_wait3A_36] : memref<1024x128xf32, #tpu.memory_space<vmem_shared>> -> memref<1024x128xf32, #tpu.memory_space<vmem_shared>>
    tpu.wait_indirect_dma semaphore(%arg24 : memref<!tpu.dma_semaphore, #tpu.memory_space<semaphore_mem>>) src(%dma_wait3A_34 : memref<80x128xf32, #tpu.memory_space<vmem>>) dst(%dma_wait3A_37 : memref<1024x128xf32, #tpu.memory_space<vmem_shared>>)
    %dma_wait3A_38 = arith.constant 0 : i32
    %dma_wait3A_39 = arith.constant 0 : i32
    %dma_wait3A_40 = tpu.memref_slice %arg17[%dma_wait3A_38, %dma_wait3A_39] : memref<1024x128xf32, #tpu.memory_space<vmem_shared>> -> memref<1024x128xf32, #tpu.memory_space<vmem_shared>>
    tpu.wait_indirect_dma semaphore(%arg24 : memref<!tpu.dma_semaphore, #tpu.memory_space<semaphore_mem>>) src(%arg15 : memref<80x128xf32, #tpu.memory_space<vmem>>) dst(%dma_wait3A_40 : memref<1024x128xf32, #tpu.memory_space<vmem_shared>>)
    %dma_wait3A_41 = arith.constant 80 : i32
    %dma_wait3A_42 = arith.constant 0 : i32
    %dma_wait3A_43 = tpu.memref_slice %arg9[%dma_wait3A_41, %dma_wait3A_42] : memref<160x128xf32, #tpu.memory_space<vmem>> -> memref<80x128xf32, #tpu.memory_space<vmem>>
    %dma_wait3A_44 = arith.constant 0 : i32
    %dma_wait3A_45 = arith.constant 0 : i32
    %dma_wait3A_46 = tpu.memref_slice %arg16[%dma_wait3A_44, %dma_wait3A_45] : memref<1024x128xf32, #tpu.memory_space<vmem_shared>> -> memref<1024x128xf32, #tpu.memory_space<vmem_shared>>
    tpu.wait_indirect_dma semaphore(%arg24 : memref<!tpu.dma_semaphore, #tpu.memory_space<semaphore_mem>>) src(%dma_wait3A_43 : memref<80x128xf32, #tpu.memory_space<vmem>>) dst(%dma_wait3A_46 : memref<1024x128xf32, #tpu.memory_space<vmem_shared>>)
    %dma_wait3A_47 = arith.constant 0 : i32
    %dma_wait3A_48 = arith.constant 0 : i32
    %dma_wait3A_49 = tpu.memref_slice %arg17[%dma_wait3A_47, %dma_wait3A_48] : memref<1024x128xf32, #tpu.memory_space<vmem_shared>> -> memref<1024x128xf32, #tpu.memory_space<vmem_shared>>
    tpu.wait_indirect_dma semaphore(%arg24 : memref<!tpu.dma_semaphore, #tpu.memory_space<semaphore_mem>>) src(%arg15 : memref<80x128xf32, #tpu.memory_space<vmem>>) dst(%dma_wait3A_49 : memref<1024x128xf32, #tpu.memory_space<vmem_shared>>)
    %dma_wait3A_50 = arith.constant 0 : i32
    %dma_wait3A_51 = arith.constant 0 : i32
    %dma_wait3A_52 = tpu.memref_slice %arg10[%dma_wait3A_50, %dma_wait3A_51] : memref<160x128xf32, #tpu.memory_space<vmem>> -> memref<80x128xf32, #tpu.memory_space<vmem>>
    %dma_wait3A_53 = arith.constant 0 : i32
    %dma_wait3A_54 = arith.constant 0 : i32
    %dma_wait3A_55 = tpu.memref_slice %arg16[%dma_wait3A_53, %dma_wait3A_54] : memref<1024x128xf32, #tpu.memory_space<vmem_shared>> -> memref<1024x128xf32, #tpu.memory_space<vmem_shared>>
    tpu.wait_indirect_dma semaphore(%arg25 : memref<!tpu.dma_semaphore, #tpu.memory_space<semaphore_mem>>) src(%dma_wait3A_52 : memref<80x128xf32, #tpu.memory_space<vmem>>) dst(%dma_wait3A_55 : memref<1024x128xf32, #tpu.memory_space<vmem_shared>>)
    %dma_wait3A_56 = arith.constant 0 : i32
    %dma_wait3A_57 = arith.constant 0 : i32
    %dma_wait3A_58 = tpu.memref_slice %arg17[%dma_wait3A_56, %dma_wait3A_57] : memref<1024x128xf32, #tpu.memory_space<vmem_shared>> -> memref<1024x128xf32, #tpu.memory_space<vmem_shared>>
    tpu.wait_indirect_dma semaphore(%arg25 : memref<!tpu.dma_semaphore, #tpu.memory_space<semaphore_mem>>) src(%arg15 : memref<80x128xf32, #tpu.memory_space<vmem>>) dst(%dma_wait3A_58 : memref<1024x128xf32, #tpu.memory_space<vmem_shared>>)
    %dma_wait3A_59 = arith.constant 80 : i32
    %dma_wait3A_60 = arith.constant 0 : i32
    %dma_wait3A_61 = tpu.memref_slice %arg10[%dma_wait3A_59, %dma_wait3A_60] : memref<160x128xf32, #tpu.memory_space<vmem>> -> memref<80x128xf32, #tpu.memory_space<vmem>>
    %dma_wait3A_62 = arith.constant 0 : i32
    %dma_wait3A_63 = arith.constant 0 : i32
    %dma_wait3A_64 = tpu.memref_slice %arg16[%dma_wait3A_62, %dma_wait3A_63] : memref<1024x128xf32, #tpu.memory_space<vmem_shared>> -> memref<1024x128xf32, #tpu.memory_space<vmem_shared>>
    tpu.wait_indirect_dma semaphore(%arg25 : memref<!tpu.dma_semaphore, #tpu.memory_space<semaphore_mem>>) src(%dma_wait3A_61 : memref<80x128xf32, #tpu.memory_space<vmem>>) dst(%dma_wait3A_64 : memref<1024x128xf32, #tpu.memory_space<vmem_shared>>)
    %dma_wait3A_65 = arith.constant 0 : i32
    %dma_wait3A_66 = arith.constant 0 : i32
    %dma_wait3A_67 = tpu.memref_slice %arg17[%dma_wait3A_65, %dma_wait3A_66] : memref<1024x128xf32, #tpu.memory_space<vmem_shared>> -> memref<1024x128xf32, #tpu.memory_space<vmem_shared>>
    tpu.wait_indirect_dma semaphore(%arg25 : memref<!tpu.dma_semaphore, #tpu.memory_space<semaphore_mem>>) src(%arg15 : memref<80x128xf32, #tpu.memory_space<vmem>>) dst(%dma_wait3A_67 : memref<1024x128xf32, #tpu.memory_space<vmem_shared>>)
    %barrier3A_68 = arith.constant 0 : index
    tpu.barrier barrier_id(%barrier3A_68)
    %mul3A_69 = arith.constant 64 : i32
    %mul3A_70 = arith.muli %arg1, %mul3A_69 : i32
    %mul3A_71 = arith.constant 64 : i32
    %mul3A_72 = arith.muli %arg1, %mul3A_71 : i32
    "tpu.region"() ({
      %run_scoped3A = tpu.sem_alloc : memref<!tpu.dma_semaphore, #tpu.memory_space<semaphore_mem>>
      %dma_start3A_77 = arith.constant 0 : i32
      %dma_start3A_78 = tpu.memref_slice %arg7[%arg0, %mul3A_72, %dma_start3A_77] : memref<2x1024x128xf32, #tpu.memory_space<hbm>> -> memref<1x64x128xf32, #tpu.memory_space<hbm>>
      %dma_start3A_79 = tpu.memref_squeeze %dma_start3A_78 : memref<1x64x128xf32, #tpu.memory_space<hbm>> -> memref<64x128xf32, #tpu.memory_space<hbm>>
      %dma_start3A_80 = arith.constant 0 : i32
      %dma_start3A_81 = tpu.memref_slice %arg16[%mul3A_70, %dma_start3A_80] : memref<1024x128xf32, #tpu.memory_space<vmem_shared>> -> memref<64x128xf32, #tpu.memory_space<vmem_shared>>
      tpu.enqueue_dma source(%dma_start3A_81 : memref<64x128xf32, #tpu.memory_space<vmem_shared>>) target(%dma_start3A_79 : memref<64x128xf32, #tpu.memory_space<hbm>>) target_semaphore(%run_scoped3A : memref<!tpu.dma_semaphore, #tpu.memory_space<semaphore_mem>>)
      %dma_wait3A_82 = arith.constant 0 : i32
      %dma_wait3A_83 = tpu.memref_slice %arg7[%arg0, %mul3A_72, %dma_wait3A_82] : memref<2x1024x128xf32, #tpu.memory_space<hbm>> -> memref<1x64x128xf32, #tpu.memory_space<hbm>>
      %dma_wait3A_84 = tpu.memref_squeeze %dma_wait3A_83 : memref<1x64x128xf32, #tpu.memory_space<hbm>> -> memref<64x128xf32, #tpu.memory_space<hbm>>
      %dma_wait3A_85 = arith.constant 0 : i32
      %dma_wait3A_86 = tpu.memref_slice %arg16[%mul3A_70, %dma_wait3A_85] : memref<1024x128xf32, #tpu.memory_space<vmem_shared>> -> memref<64x128xf32, #tpu.memory_space<vmem_shared>>
      tpu.wait_dma2 semaphore(%run_scoped3A : memref<!tpu.dma_semaphore, #tpu.memory_space<semaphore_mem>>) src(%dma_wait3A_86 : memref<64x128xf32, #tpu.memory_space<vmem_shared>>) dst(%dma_wait3A_84 : memref<64x128xf32, #tpu.memory_space<hbm>>)
      tpu.yield
    }) : () -> ()
    %mul3A_73 = arith.constant 64 : i32
    %mul3A_74 = arith.muli %arg1, %mul3A_73 : i32
    %mul3A_75 = arith.constant 64 : i32
    %mul3A_76 = arith.muli %arg1, %mul3A_75 : i32
    "tpu.region"() ({
      %run_scoped3A = tpu.sem_alloc : memref<!tpu.dma_semaphore, #tpu.memory_space<semaphore_mem>>
      %dma_start3A_77 = arith.constant 0 : i32
      %dma_start3A_78 = tpu.memref_slice %arg8[%arg0, %mul3A_76, %dma_start3A_77] : memref<2x1024x128xf32, #tpu.memory_space<hbm>> -> memref<1x64x128xf32, #tpu.memory_space<hbm>>
      %dma_start3A_79 = tpu.memref_squeeze %dma_start3A_78 : memref<1x64x128xf32, #tpu.memory_space<hbm>> -> memref<64x128xf32, #tpu.memory_space<hbm>>
      %dma_start3A_80 = arith.constant 0 : i32
      %dma_start3A_81 = tpu.memref_slice %arg17[%mul3A_74, %dma_start3A_80] : memref<1024x128xf32, #tpu.memory_space<vmem_shared>> -> memref<64x128xf32, #tpu.memory_space<vmem_shared>>
      tpu.enqueue_dma source(%dma_start3A_81 : memref<64x128xf32, #tpu.memory_space<vmem_shared>>) target(%dma_start3A_79 : memref<64x128xf32, #tpu.memory_space<hbm>>) target_semaphore(%run_scoped3A : memref<!tpu.dma_semaphore, #tpu.memory_space<semaphore_mem>>)
      %dma_wait3A_82 = arith.constant 0 : i32
      %dma_wait3A_83 = tpu.memref_slice %arg8[%arg0, %mul3A_76, %dma_wait3A_82] : memref<2x1024x128xf32, #tpu.memory_space<hbm>> -> memref<1x64x128xf32, #tpu.memory_space<hbm>>
      %dma_wait3A_84 = tpu.memref_squeeze %dma_wait3A_83 : memref<1x64x128xf32, #tpu.memory_space<hbm>> -> memref<64x128xf32, #tpu.memory_space<hbm>>
      %dma_wait3A_85 = arith.constant 0 : i32
      %dma_wait3A_86 = tpu.memref_slice %arg17[%mul3A_74, %dma_wait3A_85] : memref<1024x128xf32, #tpu.memory_space<vmem_shared>> -> memref<64x128xf32, #tpu.memory_space<vmem_shared>>
      tpu.wait_dma2 semaphore(%run_scoped3A : memref<!tpu.dma_semaphore, #tpu.memory_space<semaphore_mem>>) src(%dma_wait3A_86 : memref<64x128xf32, #tpu.memory_space<vmem_shared>>) dst(%dma_wait3A_84 : memref<64x128xf32, #tpu.memory_space<hbm>>)
      tpu.yield
    }) : () -> ()
    return
  }
}

module attributes {stable_mosaic.version = 14 : i64} {
  func.func @_combine_body(%arg0: memref<2x1024x128xf32, #tpu.memory_space<vmem>>, %arg1: memref<2x1024x128xf32, #tpu.memory_space<vmem>>, %arg2: memref<1024x128xf32, #tpu.memory_space<vmem>>) attributes {dimension_semantics = [], scalar_prefetch = 0 : i64, scratch_operands = 0 : i64, tpu.core_type = #tpu.core_type<tc>} {
    %get3A = arith.constant 0 : index
    %get3A_0 = arith.constant 0 : index
    %get3A_1 = arith.constant 0 : index
    %get3A_2 = vector.load %arg0[%get3A, %get3A_0, %get3A_1] : memref<2x1024x128xf32, #tpu.memory_space<vmem>>, vector<1x1024x128xf32>
    %get3A_3 = vector.shape_cast %get3A_2 : vector<1x1024x128xf32> to vector<1024x128xf32>
    %get3A_4 = arith.constant 1 : index
    %get3A_5 = arith.constant 0 : index
    %get3A_6 = arith.constant 0 : index
    %get3A_7 = vector.load %arg0[%get3A_4, %get3A_5, %get3A_6] : memref<2x1024x128xf32, #tpu.memory_space<vmem>>, vector<1x1024x128xf32>
    %get3A_8 = vector.shape_cast %get3A_7 : vector<1x1024x128xf32> to vector<1024x128xf32>
    %add3A = arith.addf %get3A_3, %get3A_8 : vector<1024x128xf32>
    %get3A_9 = arith.constant 0 : index
    %get3A_10 = arith.constant 0 : index
    %get3A_11 = arith.constant 0 : index
    %get3A_12 = vector.load %arg1[%get3A_9, %get3A_10, %get3A_11] : memref<2x1024x128xf32, #tpu.memory_space<vmem>>, vector<1x1024x1xf32>
    %get3A_13 = vector.shape_cast %get3A_12 : vector<1x1024x1xf32> to vector<1024x1xf32>
    %get3A_14 = arith.constant 1 : index
    %get3A_15 = arith.constant 0 : index
    %get3A_16 = arith.constant 0 : index
    %get3A_17 = vector.load %arg1[%get3A_14, %get3A_15, %get3A_16] : memref<2x1024x128xf32, #tpu.memory_space<vmem>>, vector<1x1024x1xf32>
    %get3A_18 = vector.shape_cast %get3A_17 : vector<1x1024x1xf32> to vector<1024x1xf32>
    %add3A_19 = arith.addf %get3A_13, %get3A_18 : vector<1024x1xf32>
    %max3A = arith.constant 1.000000e+00 : f32
    %max3A_20 = vector.broadcast %max3A : f32 to vector<1024x1xf32>
    %max3A_21 = arith.maximumf %add3A_19, %max3A_20 : vector<1024x1xf32>
    %div3A = vector.broadcast %max3A_21 : vector<1024x1xf32> to vector<1024x128xf32>
    %div3A_22 = arith.divf %add3A, %div3A : vector<1024x128xf32>
    %swap3A = arith.constant 0 : index
    %swap3A_23 = arith.constant 0 : index
    %swap3A_24 = vector.load %arg2[%swap3A, %swap3A_23] : memref<1024x128xf32, #tpu.memory_space<vmem>>, vector<1024x128xf32>
    tpu.vector_store %arg2[%swap3A, %swap3A_23], %div3A_22 {strides = array<i32>} : memref<1024x128xf32, #tpu.memory_space<vmem>>, vector<1024x128xf32>,
    return
  }
}

</mosaic_0001>

<sc_bundles>
// kernel: kernel.4.cloned.1.call-start
scs
__scs_entry_jumppad:
0x0: {  	(pc) =	sbr.rel $0x88, $3  }
0x1: {  	(tag) =	ssettag $0x0;
	lr =	simm.s32 $0x1  }
0x2: {  	[smem:$0x3F9F] =	sst lr;
	_ =	strace $0xD0000000  }
0x3: {  	_ = 	snop  }
0x4: {  	_ = 	snop  }
0x5: {  	_ = 	snop  }
0x6: {  	_ = 	snop  }
0x7: {  	_ = 	snop  }
__scs_overlays_trampoline_lowered:
0x8: {  	[smem:$0x3FAE] =	sst s0  }
0x9: {  	[smem:$0x3FAF] =	sst s1  }
0xa: {  	[smem:$0x3FB0] =	sst s2  }
0xb: {  	[smem:$0x3FB1] =	sst s3  }
0xc: {  	[smem:$0x3FB2] =	sst s4  }
0xd: {  	[smem:$0x3FB3] =	sst s5  }
0xe: {  	[smem:$0x3FB4] =	sst s6  }
0xf: {  	[smem:$0x3FB5] =	sst s7  }
0x10: {  	[smem:$0x3FB6] =	sst s8  }
0x11: {  	[smem:$0x3FB7] =	sst s9;
	s0 =	simm.s32 @!p0 $0x0  }
0x12: {  	s1 =	sld [smem:$0x3F9D];
	s0 =	simm.s32 @p0 $0x1  }
0x13: {  	[smem:$0x3FB8] =	sst s0;
	s0 =	simm.s32 @!p1 $0x0  }
0x14: {  	s2 =	sld [smem:$0x3F9C];
	s0 =	simm.s32 @p1 $0x1  }
0x15: {  	[smem:$0x3FB9] =	sst s0;
	s0 =	simm.s32 @!p2 $0x0  }
0x16: {  	s3 =	sld [smem:$0x3FDB];
	s0 =	simm.s32 @p2 $0x1  }
0x17: {  	s4 =	simm.s32 $0x1BF5;
	[smem:$0x3FBB] =	sst s0  }
0x18: {  	s0 =	sld [smem:$0x3F9E];
	_ =	swait.ge [sflag:s4], $0x0  }
0x19: {  	s7 =	sld [smem:$0x3F9F]  }
0x1a: {  	s8 =	sadd.s32 $0xFFFFE003, lr  }
0x1b: {  	s9 =	sadd.s32 $0xFFFFFEF7, lr;
	s5 =	simm.s32 $0xFFFFFFFF;
	p2 =	slt.u32 s8, $0xFFFFF086  }
0x1c: {  	p1 =	slt.u32 s9, $0xF7A;
	s5 =	simm.s32 @!p2 $0x0  }
0x1d: {  	s5 =	simm.s32 @p1 $0x1;
	p0 =	seq.s32 s7, s2  }
0x1e: {  	s7 =	smul.u32 @!p0 $0xF7A, s2;
	p2 =	seq.s32 @!p0 s5, $0x0  }
0x1f: {  	s9 =	smul.u32 $0xF7A, s1;
	s8 =	simm.s32 @!p0 $0x1BF5;
	p2 =	por !p2, p0  }
0x20: {  	[sflag:s8] =	ssyncset.s32 @!p0 $0xFFFFF086;
	s6 =	sadd.s32 @!p0 s3, s7;
	s7 =	simm.s32 @!p0 $0x108  }
0x21: {  	s3 =	sadd.s32 s3, s9;
	s6 =	sadd.s32 @!p0 $0x88, s6;
	s7 =	simm.s32 @p2 $0x1082  }
0x22: {  	[simem:s7], [sflag:s8] =	dma.local @!p0 [hbm:s6], $0xF7A  }
0x23: {  	s9 =	sor.u32 $0xD0000000, s2;
	s6 =	simm.s32 $0x108;
	_ =	swait.ge @!p0 [sflag:s8], $0x0  }
0x24: {  	s3 =	sadd.s32 $0x88, s3;
	s6 =	simm.s32 @!p1 $0x1082;
	[sflag:s4] =	ssyncset.s32 $0xFFFFF086  }
0x25: {  	[simem:s6], [sflag:s4] =	dma.local [hbm:s3], $0xF7A  }
0x26: {  	[smem:$0x3F9F] =	sst s1;
	(tag) =	ssettag s2;
	_ =	strace s9  }
0x27: {  	s1 =	sld [smem:$0x3FAF]  }
0x28: {  	s2 =	sld [smem:$0x3FB0]  }
0x29: {  	s4 =	sld [smem:$0x3FB2]  }
0x2a: {  	p0 =	seq.s32 s5, $0x0;
	s5 =	sld [smem:$0x3FB3]  }
0x2b: {  	s6 =	sld [smem:$0x3FB4]  }
0x2c: {  	s7 =	sld [smem:$0x3FB5]  }
0x2d: {  	s3 =	simm.s32 $0x108;
	s8 =	sld [smem:$0x3FB6]  }
0x2e: {  	s3 =	simm.s32 @!p0 $0x1082;
	s9 =	sld [smem:$0x3FB7]  }
0x2f: {  	lr =	sadd.s32 s0, s3;
	s0 =	sld [smem:$0x3FAE]  }
0x30: {  	s3 =	sld [smem:$0x3FB1]  }
0x31: {  	[smem:$0x3FBA] =	sst s10  }
0x32: {  	s10 =	sld [smem:$0x3FB8];
	_ =	sdelay $0x3  }
0x33: {  	p0 =	seq.s32 s10, $0x1;
	s10 =	sld [smem:$0x3FBA];
	_ =	sdelay $0x3  }
0x34: {  	[smem:$0x3FBA] =	sst s10  }
0x35: {  	s10 =	sld [smem:$0x3FB9];
	_ =	sdelay $0x3  }
0x36: {  	p1 =	seq.s32 s10, $0x1;
	s10 =	sld [smem:$0x3FBA];
	_ =	sdelay $0x3  }
0x37: {  	[smem:$0x3FBA] =	sst s10  }
0x38: {  	s10 =	sld [smem:$0x3FBB]  }
0x39: {  	_ = 	snop;
	(pc) =	sbr.ind lr, $3  }
0x3a: {  	_ = 	snop  }
0x3b: {  	_ = 	snop  }
0x3c: {  	p2 =	seq.s32 s10, $0x1;
	s10 =	sld [smem:$0x3FBA]  }
0x3d: {  	_ =	shalt  }
0x3e: {  	_ =	shalt  }
0x3f: {  	_ =	shalt  }
0x40: {  	_ =	shalt  }
0x41: {  	_ =	shalt  }
0x42: {  	_ =	shalt  }
0x43: {  	_ =	shalt  }
0x44: {  	_ =	shalt  }
0x45: {  	_ =	shalt  }
0x46: {  	_ =	shalt  }
0x47: {  	_ =	shalt  }
0x48: {  	_ =	shalt  }
0x49: {  	_ =	shalt  }
0x4a: {  	_ =	shalt  }
0x4b: {  	_ =	shalt  }
0x4c: {  	_ =	shalt  }
0x4d: {  	_ =	shalt  }
0x4e: {  	_ =	shalt  }
0x4f: {  	_ =	shalt  }
0x50: {  	_ =	shalt  }
0x51: {  	_ =	shalt  }
0x52: {  	_ =	shalt  }
0x53: {  	_ =	shalt  }
0x54: {  	_ =	shalt  }
0x55: {  	_ =	shalt  }
0x56: {  	_ =	shalt  }
0x57: {  	_ =	shalt  }
0x58: {  	_ =	shalt  }
0x59: {  	_ =	shalt  }
0x5a: {  	_ =	shalt  }
0x5b: {  	_ =	shalt  }
0x5c: {  	_ =	shalt  }
0x5d: {  	_ =	shalt  }
0x5e: {  	_ =	shalt  }
0x5f: {  	_ =	shalt  }
0x60: {  	_ =	shalt  }
0x61: {  	_ =	shalt  }
0x62: {  	_ =	shalt  }
0x63: {  	_ =	shalt  }
0x64: {  	_ =	shalt  }
0x65: {  	_ =	shalt  }
0x66: {  	_ =	shalt  }
0x67: {  	_ =	shalt  }
0x68: {  	_ =	shalt  }
0x69: {  	_ =	shalt  }
0x6a: {  	_ =	shalt  }
0x6b: {  	_ =	shalt  }
0x6c: {  	_ =	shalt  }
0x6d: {  	_ =	shalt  }
0x6e: {  	_ =	shalt  }
0x6f: {  	_ =	shalt  }
0x70: {  	_ =	shalt  }
0x71: {  	_ =	shalt  }
0x72: {  	_ =	shalt  }
0x73: {  	_ =	shalt  }
0x74: {  	_ =	shalt  }
0x75: {  	_ =	shalt  }
0x76: {  	_ =	shalt  }
0x77: {  	_ =	shalt  }
0x78: {  	_ =	shalt  }
0x79: {  	_ =	shalt  }
0x7a: {  	_ =	shalt  }
0x7b: {  	_ =	shalt  }
0x7c: {  	_ =	shalt  }
0x7d: {  	_ =	shalt  }
0x7e: {  	_ =	shalt  }
0x7f: {  	_ =	shalt  }
0x80: {  	_ =	shalt  }
0x81: {  	_ =	shalt  }
0x82: {  	_ =	shalt  }
0x83: {  	_ =	shalt  }
0x84: {  	_ =	shalt  }
0x85: {  	_ =	shalt  }
0x86: {  	_ =	shalt  }
0x87: {  	_ =	shalt  }
.Lfunc_end0:
.L_simem_size_0:
called_computation_lowered:
.L_overlay_start_0:
0x88: {  	s2 =	sld [smem:$0x3FD9]  }
0x89: {  	s3 =	sld [smem:$0x3FFE];
	_ =	sdelay $0x1  }
0x8a: {  	s1 =	srdreg.scid  }
0x8b: {  	s0 =	sand.u32 $0x1, s1  }
0x8c: {  	s17 =	sshll.u32 s0, $0xA;
	s2 =	sadd.s32 s3, s2  }
0x8d: {  	s2 =	sadd.s32 s2, s17  }
0x8e: {  	[smem:$0x3FC6] =	sst s2  }
0x8f: {  	_ = 	snop  }
0x90: {  	s2 =	sld [smem:$0x3FC9]  }
0x91: {  	s18 =	sld [smem:$0x3FC8]  }
0x92: {  	s4 =	sld [smem:$0x3FD0];
	(tm) =	ssettm $0x1  }
0x93: {  	s5 =	sld [smem:$0x3FFB];
	_ =	sdelay $0x3  }
0x94: {  	_ =	strace s5  }
0x95: {  	s5 =	sld [smem:$0x3FFC];
	_ =	sdelay $0x3  }
0x96: {  	_ =	strace s5  }
0x97: {  	s5 =	sld [smem:$0x3FFD];
	_ =	sdelay $0x3  }
0x98: {  	_ =	strace s5  }
0x99: {  	_ =	strace $0x8FFFFFFF  }
0x9a: {  	s19 =	sld [smem:$0x3FDB];
	_ =	sdelay $0x1  }
0x9b: {  	s6 =	simm.s32 $_scs_section_size  }
0x9c: {  	s7 =	simm.s32 $_size__tile_overlayer_lowered;
	s8 =	simm.s32 $_tile_overlayer_lowered  }
0x9d: {  	s22 =	simm.s32 $0x1BFF;
	s21 =	sshll.u32 s8, $0x1;
	s5 =	sadd.s32 s6, s19  }
0x9e: {  	s9 =	simm.s32 $0x0;
	s20 =	sshll.u32 s7, $0x1;
	s7 =	sadd.s32 s21, s5  }
0x9f: {  	[timem:s9], [sflag:s22] =	dma.local [hbm:s7], s20  }
0xa0: {  	_ =	swait.ge [sflag:s22], s20  }
0xa1: {  	s6 =	ssub.s32 $0x0, s20;
	[sflag:s22] =	ssyncset.done $0x0  }
0xa2: {  	[sflag:s22] =	ssyncadd.s32 s6;
	_ =	sdelay $0x1  }
0xa3: {  	s23 =	simm.s32 $0x1B8B  }
0xa4: {  	_ =	swait.ge [sflag:s23], $0x1  }
0xa5: {  	[sflag:s23] =	ssyncset.done $0x0  }
0xa6: {  	s25 =	simm.s32 $0x1B8E;
	s24 =	sld [smem:$0x3FFE];
	[sflag:s23] =	ssyncadd.s32 $0xFFFFFFFF  }
0xa7: {  	s26 =	simm.s32 $execute0_lowered;
	[smem:$0x3FD2] =	sst s25  }
0xa8: {  	s7 =	sshll.u32 s26, $0x1;
	_ =	strace $0x80000046;
	[dreg:$0x1] =	wrdreg $0xFFFFFFFF  }
0xa9: {  	s28 =	simm.s32 $_size_execute0_lowered;
	s5 =	sadd.s32 s5, s7;
	[dreg:$0x0] =	wrdreg $0x0  }
0xaa: {  	s7 =	sshll.u32 s28, $0x1;
	[dreg:$0x2] =	wrdreg s5  }
0xab: {  	[dreg:$0x3] =	wrdreg s7  }
0xac: {  	[dreg:$0x4] =	wrdreg $0xC0  }
0xad: {  	_ =	task [dreg:s9], $0x5FFFF  }
0xae: {  	[dreg:$0x1] =	wrdreg $0xFFFFFFFF  }
0xaf: {  	[dreg:$0x0] =	wrdreg $0x60  }
0xb0: {  	[dreg:$0x2] =	wrdreg s2  }
0xb1: {  	[dreg:$0x3] =	wrdreg s18  }
0xb2: {  	[dreg:$0x4] =	wrdreg s4  }
0xb3: {  	[dreg:$0x5] =	wrdreg s24  }
0xb4: {  	[dreg:$0x6] =	wrdreg $0xCA000  }
0xb5: {  	[dreg:$0x7] =	wrdreg $0xEA000  }
0xb6: {  	[dreg:$0x8] =	wrdreg $0x9  }
0xb7: {  	_ =	task.clear_ibuf [dreg:s9], $0x9FFFF;
	_ =	strace $0x90000046  }
0xb8: {  	s29 =	simm.s32 $0x9;
	_ =	strace $0x80000048  }
0xb9: {  	_ =	swait.ge [sflag:s29], $0x1  }
0xba: {  	[sflag:s29] =	ssyncadd.s32 $0xFFFFFFFF  }
0xbb: {  	_ =	strace $0x90000048  }
0xbc: {  	_ =	sfence  }
0xbd: {  	s30 =	sld [smem:$0x0];
	_ =	sdelay $0x2  }
0xbe: {  	s31 =	sshll.u32 s1, $0xD;
	s1 =	sshrl.u32 s1, $0x2  }
0xbf: {  	s3 =	sand.u32 $0x4000, s31;
	s1 =	sadd.s32 s1, s30  }
0xc0: {  	s0 =	sor.u32 s3, s0;
	s1 =	sshll.u32 s1, $0x11  }
0xc1: {  	s0 =	sor.u32 s1, s0  }
0xc2: {  	s0 =	sadd.s32 $0x8F2B, s0  }
0xc3: {  	[sflag:s0] =	ssyncadd.remote.s32 $0x1  }
0xc4: {  	_ =	sfence.sel $0xFFFF  }
0xc5: {  	[dreg:$0x0] =	wrdreg $0xFFFFFFFF;
	(pc) =	sbr.abs _section_cstart, $3  }
0xc6: {  	[dreg:$0x1] =	wrdreg $0xFFFFFFFF  }
0xc7: {  	_ =	task.clear_ibuf [dreg:s9], $0x2FFFF;
	_ =	strace $0x9FFFFFFF  }
0xc8: {  	(tm) =	ssettm $0x7FFFFFFF  }
0xc9: {  	_ =	shalt  }
tec
execute0_lowered:
.L_overlay_start_1:
0x0: {  	(tag) =	ssettag $0x1  }
0x1: {  	s1 =	rddreg [dreg:$0x0]  }
0x2: {  	s2 =	rddreg [dreg:$0x1]  }
0x3: {  	s0 =	rddreg [dreg:$0x2]  }
0x4: {  	s4 =	rddreg [dreg:$0x3]  }
0x5: {  	s3 =	rddreg [dreg:$0x4]  }
0x6: {  	s5 =	rddreg [dreg:$0x5];
	s7 =	srdreg.scid  }
0x7: {  	s6 =	simm.s32 $0x0;
	s14 =	stileid.u32;
	s28 =	simm.s32 $0x5  }
0x8: {  	s29 =	simm.s32 $0x6;
	s30 =	simm.s32 $0x50;
	s31 =	simm.s32 $0xA100  }
0x9: {  	s7 =	sand.u32 $0x1, s7;
	[smem:$0x7FF] =	sst s6;
	s12 =	sshll.u32 s14, $0xD  }
0xa: {  	s9 =	sadd.s32 $0xC00, s4;
	s10 =	sshll.u32 s14, $0x1;
	s19 =	sshll.u32 s14, $0xA  }
0xb: {  	s20 =	sshll.u32 s14, $0x6;
	s8 =	sshll.u32 s7, $0x11;
	_ =	strace $0x80000047  }
0xc: {  	[dreg:$0x7] =	wrdreg s9;
	s16 =	ssub.s32 $0x2, s7;
	s9 =	simm.s32 $0x14  }
0xd: {  	s18 =	sadd.s32 s12, s3;
	s8 =	sor.u32 s12, s8;
	s11 =	sshrl.u32 s16, $0x1  }
0xe: {  	s12 =	sadd.s32 s12, s5;
	s18 =	sshrl.u32 s18, $0x3;
	s8 =	sshrl.u32 s8, $0x3  }
0xf: {  	s17 =	ssub.s32 s16, s11;
	s11 =	sor.u32 $0x1C09, s20;
	s20 =	sshrl.u32 s12, $0x3  }
0x10: {  	s4 =	sadd.s32 s8, s4;
	s8 =	sor.u32 s7, s10;
	s10 =	sadd.s32 s0, s19  }
0x11: {  	s26 =	smax.u32 s17, $0x1;
	s19 =	simm.s32 $0x9;
	s13 =	smul.u32 $0xA0, s8  }
0x12: {  	p0 =	slt.u32 s8, $0x11;
	s21 =	smul.u32 $0xA00, s8;
	s24 =	sadd.s32 $0x1200, s4  }
0x13: {  	s25 =	sadd.s32 $0x9200, s4;
	[dreg:$0xd] =	wrdreg s26;
	s26 =	simm.s32 $0x2  }
0x14: {  	s4 =	simm.s32 $0xA180;
	s9 =	simm.s32 @!p0 $0x13;
	[dreg:$0xb] =	wrdreg s24  }
.Ltmp0:
0x15: {  	[dreg:$0xc] =	wrdreg s25;
	s24 =	simm.s32 $0x7;
	(pc) =	sbr.rel .LBB2_1-.Ltmp0, $4  }
0x16: {  	s25 =	simm.s32 $0x8;
	s22 =	sshrl.u32 s13, $0x3;
	s23 =	sadd.s32 s1, s21  }
0x17: {  	s21 =	simm.s32 $0xA200;
	[dreg:$0x8] =	wrdreg s23;
	s0 =	sadd.s32 s2, s22  }
0x18: {  	s22 =	simm.s32 $0x7800;
	[dreg:$0x9] =	wrdreg s0;
	s0 =	sadd.s32 $0xA, s0  }
0x19: {  	s23 =	simm.s32 $0x0;
	[dreg:$0xa] =	wrdreg s0;
	s0 =	simm.s32 $0x5000  }
.LBB2_5:
0x1a: {  	_ =	swait.ge [sflag:s24], $0x2800  }
0x1b: {  	[sflag:s24] =	ssyncset.done $0x0  }
0x1c: {  	[sflag:s24] =	ssyncadd.s32 $0xFFFFD800  }
0x1d: {  	_ =	swait.ge [sflag:s24], $0x2800  }
0x1e: {  	[sflag:s24] =	ssyncset.done $0x0  }
0x1f: {  	[sflag:s24] =	ssyncadd.s32 $0xFFFFD800  }
0x20: {  	_ =	swait.ge [sflag:s24], $0x2800  }
0x21: {  	[sflag:s24] =	ssyncset.done $0x0  }
0x22: {  	[sflag:s24] =	ssyncadd.s32 $0xFFFFD800  }
0x23: {  	_ =	swait.ge [sflag:s24], $0x2800  }
0x24: {  	[sflag:s24] =	ssyncset.done $0x0  }
0x25: {  	[sflag:s24] =	ssyncadd.s32 $0xFFFFD800  }
0x26: {  	_ =	swait.ge [sflag:s25], $0x2800  }
0x27: {  	[sflag:s25] =	ssyncset.done $0x0  }
0x28: {  	[sflag:s25] =	ssyncadd.s32 $0xFFFFD800  }
0x29: {  	_ =	swait.ge [sflag:s25], $0x2800  }
0x2a: {  	[sflag:s25] =	ssyncset.done $0x0  }
0x2b: {  	[sflag:s25] =	ssyncadd.s32 $0xFFFFD800  }
0x2c: {  	_ =	swait.ge [sflag:s25], $0x2800  }
0x2d: {  	[sflag:s25] =	ssyncset.done $0x0  }
0x2e: {  	[sflag:s25] =	ssyncadd.s32 $0xFFFFD800  }
0x2f: {  	_ =	swait.ge [sflag:s25], $0x2800  }
0x30: {  	[sflag:s25] =	ssyncset.done $0x0  }
0x31: {  	[sflag:s25] =	ssyncadd.s32 $0xFFFFD800  }
0x32: {  	[bflag:$0x0] =	sbarrier.arrive $0xFFFF  }
0x33: {  	s7 =	rddreg [dreg:$0xb]  }
0x34: {  	[hbm:s7], [sflag:s11] =	dma.local [spmem:s18], $0x400  }
0x35: {  	_ =	swait.ge [sflag:s19], $0x400  }
0x36: {  	[sflag:s19] =	ssyncset.done $0x0  }
0x37: {  	s16 =	rddreg [dreg:$0xc];
	[sflag:s19] =	ssyncadd.s32 $0xFFFFFC00  }
0x38: {  	[hbm:s16], [sflag:s11] =	dma.local [spmem:s20], $0x400  }
0x39: {  	_ =	swait.ge [sflag:s19], $0x400  }
0x3a: {  	s23 =	sadd.s32 $0x1, s23;
	s17 =	rddreg [dreg:$0xd]  }
0x3b: {  	p0 =	sne.s32 s23, s17  }
.Ltmp1:
0x3c: {  	_ = 	snop;
	(pc) =	sbr.rel @!p0 .LBB2_6-.Ltmp1, $3  }
0x3d: {  	_ =	sdelay $0x1  }
0x3e: {  	[sflag:s19] =	ssyncset.done $0x0  }
0x3f: {  	[sflag:s19] =	ssyncadd.s32 $0xFFFFFC00  }
.LBB2_1:
0x40: {  	[spmem:s18], [sflag:s11] =	dma.local [hbm:s10], $0x400  }
0x41: {  	_ =	swait.ge [sflag:s19], $0x400  }
0x42: {  	[sflag:s19] =	ssyncset.done $0x0  }
0x43: {  	[sflag:s19] =	ssyncadd.s32 $0xFFFFFC00  }
0x44: {  	[spmem:s20], [sflag:s11] =	dma.local [hbm:s10], $0x400  }
0x45: {  	_ =	swait.ge [sflag:s19], $0x400  }
0x46: {  	[sflag:s19] =	ssyncset.done $0x0  }
0x47: {  	s7 =	rddreg [dreg:$0x7];
	[sflag:s19] =	ssyncadd.s32 $0xFFFFFC00  }
0x48: {  	[tilespmem:s21], [sflag:$0x9] =	stream.linear.gather [hbm4b:s7+s6], $0x2800, $0x38;
	[tilespmem:$0x10A00] =	vst v63  }
0x49: {  	_ =	swait.ge [sflag:s19], $0x2800  }
0x4a: {  	[sflag:s19] =	ssyncset.done $0x0  }
0x4b: {  	[sflag:s19] =	ssyncadd.s32 $0xFFFFD800  }
0x4c: {  	[bflag:$0x0] =	sbarrier.arrive $0xFFFF  }
0x4d: {  	s14 =	rddreg [dreg:$0x8]  }
0x4e: {  	[tilespmem:s6], [sflag:$0x1] =	stream.linear.gather [hbm4b:s14+s6], $0x5000, $0x38;
	[tilespmem:$0x10A00] =	vst v63  }
.Ltmp2:
0x4f: {  	_ = 	snop;
	(pc) =	sbr.rel .LBB2_2-.Ltmp2, $4  }
0x50: {  	s12 =	simm.s32 $0xA000;
	s15 =	rddreg [dreg:$0x9]  }
0x51: {  	[tilespmem:s12], [sflag:$0x3] =	stream.linear.gather [hbm4b:s15+s6], $0x50, $0x38;
	[tilespmem:$0x10A00] =	vst v63  }
0x52: {  	s17 =	simm.s32 $0xA080;
	s7 =	simm.s32 $0x0;
	s16 =	rddreg [dreg:$0xa]  }
0x53: {  	[tilespmem:s17], [sflag:$0x4] =	stream.linear.gather [hbm4b:s16+s6], $0x50, $0x38;
	[tilespmem:$0x10A00] =	vst v63  }
.LBB2_4:
0x54: {  	p0 =	sne.s32 s12, s9  }
.Ltmp3:
0x55: {  	_ = 	snop;
	(pc) =	sbr.rel @!p0 .LBB2_5-.Ltmp3, $2  }
0x56: {  	_ =	sdelay $0x2  }
0x57: {  	s7 =	smov.u32 s12  }
.LBB2_2:
0x58: {  	s14 =	sand.u32 $0x1, s7  }
0x59: {  	p0 =	seq.s32 s14, $0x1  }
0x5a: {  	s12 =	sor.u32 @!p0 $0x1, s7  }
0x5b: {  	p2 =	sge.u32 @!p0 s12, s9  }
0x5c: {  	p1 =	por p2, p0  }
0x5d: {  	p3 =	seq.s32 @!p1 s7, $0x0  }
0x5e: {  	p2 =	por @!p0 p3, p2  }
0x5f: {  	p2 =	por p2, p0  }
0x60: {  	s15 =	simm.s32 @!p2 $0x8  }
0x61: {  	_ =	swait.ge @!p2 [sflag:s15], $0x2800  }
0x62: {  	[sflag:s15] =	ssyncset.done @!p2 $0x0  }
0x63: {  	[sflag:s15] =	ssyncadd.s32 @!p2 $0xFFFFD800  }
0x64: {  	_ =	swait.ge @!p2 [sflag:s15], $0x2800  }
0x65: {  	[sflag:s15] =	ssyncset.done @!p2 $0x0  }
0x66: {  	[sflag:s15] =	ssyncadd.s32 @!p2 $0xFFFFD800  }
0x67: {  	_ =	swait.ge @!p2 [sflag:s15], $0x2800  }
0x68: {  	[sflag:s15] =	ssyncset.done @!p2 $0x0  }
0x69: {  	s16 =	sshll.u32 @!p1 s12, $0x5;
	[sflag:s15] =	ssyncadd.s32 @!p2 $0xFFFFD800  }
0x6a: {  	s16 =	sor.u32 @!p1 s8, s16;
	_ =	swait.ge @!p2 [sflag:s15], $0x2800  }
0x6b: {  	s17 =	smul.u32 @!p1 $0xA00, s16;
	[sflag:s15] =	ssyncset.done @!p2 $0x0  }
0x6c: {  	s13 =	simm.s32 @!p1 $0x5000;
	[sflag:s15] =	ssyncadd.s32 @!p2 $0xFFFFD800  }
0x6d: {  	s15 =	smul.u32 @!p1 $0xA0, s16;
	s16 =	sadd.s32 @!p1 s1, s17;
	s17 =	simm.s32 @!p1 $0x0  }
0x6e: {  	[tilespmem:s13], [sflag:$0x2] =	stream.linear.gather @!p1 [hbm4b:s16+s17], $0x5000, $0x38;
	[tilespmem:$0x10A00] =	vst v63  }
0x6f: {  	s13 =	sshrl.u32 @!p1 s15, $0x3  }
0x70: {  	s15 =	simm.s32 @!p1 $0xA100;
	s13 =	sadd.s32 @!p1 s2, s13  }
0x71: {  	[tilespmem:s15], [sflag:$0x5] =	stream.linear.gather @!p1 [hbm4b:s13+s17], $0x50, $0x38;
	[tilespmem:$0x10A00] =	vst v63  }
0x72: {  	s13 =	sadd.s32 @!p1 $0xA, s13;
	s15 =	simm.s32 @!p1 $0xA180  }
0x73: {  	[tilespmem:s15], [sflag:$0x6] =	stream.linear.gather @!p1 [hbm4b:s13+s17], $0x50, $0x38;
	[tilespmem:$0x10A00] =	vst v63  }
0x74: {  	s13 =	simm.s32 @!p0 $0x1  }
0x75: {  	_ =	swait.ge @!p0 [sflag:s13], $0x5000  }
0x76: {  	[sflag:s13] =	ssyncset.done @!p0 $0x0  }
0x77: {  	[sflag:s13] =	ssyncadd.s32 @!p0 $0xFFFFB000;
	s13 =	simm.s32 @!p0 $0x3  }
0x78: {  	_ =	swait.ge @!p0 [sflag:s13], $0x50  }
0x79: {  	[sflag:s13] =	ssyncset.done @!p0 $0x0  }
0x7a: {  	[sflag:s13] =	ssyncadd.s32 @!p0 $0xFFFFFFB0;
	s13 =	simm.s32 @!p0 $0x4  }
0x7b: {  	_ =	swait.ge @!p0 [sflag:s13], $0x50  }
0x7c: {  	s16 =	simm.s32 @!p0 $0x0;
	[sflag:s13] =	ssyncset.done @!p0 $0x0  }
0x7d: {  	s15 =	simm.s32 @!p0 $0xA000;
	[sflag:s13] =	ssyncadd.s32 @!p0 $0xFFFFFFB0;
	s13 =	simm.s32 @!p0 $0x50  }
0x7e: {  	[spmem:s3] =	stream.indirect.scatter.add.f32 @!p0 [tilespmem:s16], [sflag:$0x7], $0x80, s15, s13, $0xb8;
	[tilespmem:$0x10A00] =	vst v63  }
0x7f: {  	s16 =	simm.s32 @!p0 $0xA200  }
0x80: {  	[spmem:s5] =	stream.indirect.scatter.add.f32 @!p0 [tilespmem:s16], [sflag:$0x7], $0x80, s15, s13, $0xb8;
	[tilespmem:$0x10A00] =	vst v63  }
0x81: {  	s17 =	simm.s32 @!p0 $0x2800;
	s15 =	simm.s32 @!p0 $0xA080  }
0x82: {  	[spmem:s3] =	stream.indirect.scatter.add.f32 @!p0 [tilespmem:s17], [sflag:$0x7], $0x80, s15, s13, $0xb8;
	[tilespmem:$0x10A00] =	vst v63  }
0x83: {  	p1 =	seq.s32 @!p0 s14, $0x0  }
0x84: {  	[spmem:s5] =	stream.indirect.scatter.add.f32 @!p0 [tilespmem:s16], [sflag:$0x7], $0x80, s15, s13, $0xb8;
	[tilespmem:$0x10A00] =	vst v63  }
0x85: {  	p0 =	por p0, !p1  }
.Ltmp4:
0x86: {  	_ = 	snop;
	(pc) =	sbr.rel @!p0 .LBB2_4-.Ltmp4, $1  }
0x87: {  	_ =	sdelay $0x3  }
0x88: {  	s12 =	sadd.s32 $0x1, s7  }
0x89: {  	p0 =	sge.u32 s12, s9  }
0x8a: {  	s7 =	simm.s32 @!p0 $0x7  }
0x8b: {  	_ =	swait.ge @!p0 [sflag:s7], $0x2800  }
0x8c: {  	[sflag:s7] =	ssyncset.done @!p0 $0x0  }
0x8d: {  	[sflag:s7] =	ssyncadd.s32 @!p0 $0xFFFFD800  }
0x8e: {  	_ =	swait.ge @!p0 [sflag:s7], $0x2800  }
0x8f: {  	[sflag:s7] =	ssyncset.done @!p0 $0x0  }
0x90: {  	[sflag:s7] =	ssyncadd.s32 @!p0 $0xFFFFD800  }
0x91: {  	_ =	swait.ge @!p0 [sflag:s7], $0x2800  }
0x92: {  	[sflag:s7] =	ssyncset.done @!p0 $0x0  }
0x93: {  	s13 =	sshll.u32 @!p0 s12, $0x5;
	[sflag:s7] =	ssyncadd.s32 @!p0 $0xFFFFD800  }
0x94: {  	s13 =	sor.u32 @!p0 s8, s13;
	_ =	swait.ge @!p0 [sflag:s7], $0x2800  }
0x95: {  	s14 =	smul.u32 @!p0 $0xA00, s13;
	[sflag:s7] =	ssyncset.done @!p0 $0x0  }
0x96: {  	[sflag:s7] =	ssyncadd.s32 @!p0 $0xFFFFD800  }
0x97: {  	s7 =	smul.u32 @!p0 $0xA0, s13;
	s13 =	sadd.s32 @!p0 s1, s14;
	s14 =	simm.s32 @!p0 $0x0  }
0x98: {  	[tilespmem:s14], [sflag:$0x1] =	stream.linear.gather @!p0 [hbm4b:s13+s14], $0x5000, $0x38;
	[tilespmem:$0x10A00] =	vst v63  }
0x99: {  	s7 =	sshrl.u32 @!p0 s7, $0x3  }
0x9a: {  	s13 =	simm.s32 @!p0 $0xA000;
	s7 =	sadd.s32 @!p0 s2, s7  }
0x9b: {  	[tilespmem:s13], [sflag:$0x3] =	stream.linear.gather @!p0 [hbm4b:s7+s14], $0x50, $0x38;
	[tilespmem:$0x10A00] =	vst v63  }
0x9c: {  	s7 =	sadd.s32 @!p0 $0xA, s7;
	s13 =	simm.s32 @!p0 $0xA080  }
0x9d: {  	[tilespmem:s13], [sflag:$0x4] =	stream.linear.gather @!p0 [hbm4b:s7+s14], $0x50, $0x38;
	[tilespmem:$0x10A00] =	vst v63  }
0x9e: {  	_ =	swait.ge [sflag:s26], $0x5000  }
0x9f: {  	[sflag:s26] =	ssyncset.done $0x0  }
0xa0: {  	[sflag:s26] =	ssyncadd.s32 $0xFFFFB000  }
0xa1: {  	_ =	swait.ge [sflag:s28], $0x50  }
0xa2: {  	[sflag:s28] =	ssyncset.done $0x0  }
0xa3: {  	[sflag:s28] =	ssyncadd.s32 $0xFFFFFFB0  }
0xa4: {  	_ =	swait.ge [sflag:s29], $0x50  }
0xa5: {  	[sflag:s29] =	ssyncset.done $0x0  }
0xa6: {  	[sflag:s29] =	ssyncadd.s32 $0xFFFFFFB0  }
0xa7: {  	[spmem:s3] =	stream.indirect.scatter.add.f32 [tilespmem:s0], [sflag:$0x8], $0x80, s31, s30, $0xb8;
	[tilespmem:$0x10A00] =	vst v63  }
0xa8: {  	_ = 	snop  }
0xa9: {  	[spmem:s5] =	stream.indirect.scatter.add.f32 [tilespmem:s21], [sflag:$0x8], $0x80, s31, s30, $0xb8;
	[tilespmem:$0x10A00] =	vst v63  }
.Ltmp5:
0xaa: {  	_ = 	snop;
	(pc) =	sbr.rel .LBB2_4-.Ltmp5, $4  }
0xab: {  	_ = 	snop  }
0xac: {  	[spmem:s3] =	stream.indirect.scatter.add.f32 [tilespmem:s22], [sflag:$0x8], $0x80, s4, s30, $0xb8;
	[tilespmem:$0x10A00] =	vst v63  }
0xad: {  	_ = 	snop  }
0xae: {  	[spmem:s5] =	stream.indirect.scatter.add.f32 [tilespmem:s21], [sflag:$0x8], $0x80, s4, s30, $0xb8;
	[tilespmem:$0x10A00] =	vst v63  }
.LBB2_6:
0xaf: {  	_ =	sfence.sel $0x180000  }
0xb0: {  	[bflag:$0x0] =	sbarrier.arrive $0xFFFF  }
0xb1: {  	_ =	strace $0x90000047  }
0xb2: {  	s0 =	stileid.u32;
	[bflag:$0x2] =	sbarrier.arrive $0xFFFF  }
0xb3: {  	p0 =	sne.s32 s0, $0x0;
	s0 =	rddreg [dreg:$0x6]  }
0xb4: {  	s0 =	sadd.s32 @!p0 $0x100000, s0  }
0xb5: {  	[sflag:s0] =	ssyncadd.tile.s32 @!p0 $0x1;
	_ =	shalt  }
.Lfunc_end2:
_tile_overlayer_lowered:
.L_overlay_start_2:
0xb6: {  	(tag) =	ssettag $0x2  }
0xb7: {  	s0 =	rddreg [dreg:$0x0];
	s2 =	stileid.u32  }
0xb8: {  	s1 =	rddreg [dreg:$0x1];
	p0 =	sne.s32 s2, $0x0  }
0xb9: {  	s3 =	rddreg [dreg:$0x2];
	[bflag:$0x3] =	sbarrier.arrive $0xFFFF;
	s2 =	simm.s32 @!p0 $0x1C09  }
0xba: {  	[timem:s3], [sflag:s2] =	dma.local @!p0 [hbm:s0], s1  }
0xbb: {  	s0 =	simm.s32 @!p0 $0x9  }
0xbc: {  	_ =	swait.ge @!p0 [sflag:s0], s1  }
0xbd: {  	s1 =	ssub.s32 @!p0 $0x0, s1;
	[sflag:s0] =	ssyncset.done @!p0 $0x0  }
0xbe: {  	[sflag:s0] =	ssyncadd.s32 @!p0 s1  }
0xbf: {  	[bflag:$0x3] =	sbarrier.arrive $0xFFFF  }
0xc0: {  	_ =	shalt  }

</sc_bundles>
